<compile_context>
chip_gen: v7x
topology: tpu7x:2x2x1
jax: 0.10.2.dev20260603
libtpu: 0.0.44.dev20260713+nightly
codegen_flags: <defaults>
</compile_context>

<pallas_src>
import functools

import jax
import jax.numpy as jnp
from jax import lax
from jax.experimental import pallas as pl
from jax.experimental.pallas import tpu as pltpu
from jax.experimental.pallas import tpu_sc as plsc

_B = 256
_BF = 512
_IB = 512
_LANES = 128


_NUM_E = 8



def _ffn_body(be_r, used_r, x_r, s_r, gw_r, uw_r, dw_r, o_r):
    g = pl.program_id(0)
    j = pl.program_id(1)
    is_active = g < used_r[0]

    @pl.when(jnp.logical_and(is_active, j == 0))
    def _():
        o_r[...] = jnp.zeros_like(o_r)

    @pl.when(is_active)
    def _():
        x = x_r[...].astype(jnp.bfloat16)
        s = s_r[...]
        gate = lax.dot_general(x, gw_r[0].astype(jnp.bfloat16),
                               (((1,), (0,)), ((), ())),
                               preferred_element_type=jnp.float32) * s
        up = lax.dot_general(x, uw_r[0].astype(jnp.bfloat16),
                             (((1,), (0,)), ((), ())),
                             preferred_element_type=jnp.float32) * s
        act = up * gate * jax.nn.sigmoid(gate)
        o_r[...] += lax.dot_general(act.astype(jnp.bfloat16),
                                    dw_r[0].astype(jnp.bfloat16),
                                    (((1,), (0,)), ((), ())),
                                    preferred_element_type=jnp.float32)


def _ffn_call(be, used, x_sorted, s_col, gate_up_proj, down_proj):
    P, H = x_sorted.shape
    I2 = gate_up_proj.shape[2]
    J = (I2 // 2) // _IB
    G = P // _BF

    def _g(g, us):
        return jnp.minimum(g, us[0] - 1)

    def _j(g, j, us):
        return jnp.where(g < us[0], j, 0)

    grid_spec = pltpu.PrefetchScalarGridSpec(
        num_scalar_prefetch=2,
        grid=(G, J),
        in_specs=[
            pl.BlockSpec((_BF, H), lambda g, j, be, us: (_g(g, us), 0)),
            pl.BlockSpec((_BF, 1), lambda g, j, be, us: (_g(g, us), 0)),
            pl.BlockSpec((1, H, _IB),
                         lambda g, j, be, us: (be[_g(g, us)], 0, _j(g, j, us))),
            pl.BlockSpec((1, H, _IB),
                         lambda g, j, be, us: (be[_g(g, us)], 0,
                                               _j(g, j, us) + J)),
            pl.BlockSpec((1, _IB, H),
                         lambda g, j, be, us: (be[_g(g, us)], _j(g, j, us), 0)),
        ],
        out_specs=pl.BlockSpec((_BF, H), lambda g, j, be, us: (_g(g, us), 0)),
    )
    return pl.pallas_call(
        _ffn_body,
        grid_spec=grid_spec,
        out_shape=jax.ShapeDtypeStruct((P, H), jnp.float32),
        compiler_params=pltpu.CompilerParams(
            dimension_semantics=("arbitrary", "arbitrary"),
            vmem_limit_bytes=112 * 1024 * 1024),
        name="moe_grouped_ffn",
    )(be, used, x_sorted, s_col, gate_up_proj, gate_up_proj, down_proj)



_SIB = 256


def _shared_body(x_r, rw_r, gw_r, uw_r, dw_r, o_r, eidx_r, score_r, xb_r):
    j = pl.program_id(0)

    @pl.when(j == 0)
    def _():
        o_r[...] = jnp.zeros_like(o_r)
        xb_r[...] = x_r[...].astype(jnp.bfloat16)
        logits = lax.dot_general(x_r[...], rw_r[...], (((1,), (1,)), ((), ())),
                                 preferred_element_type=jnp.float32)
        lanes = lax.broadcasted_iota(jnp.int32, logits.shape, 1)
        masked = jnp.where(lanes < _NUM_E, logits,
                           jnp.full_like(logits, -jnp.inf))
        mx = jnp.max(masked, axis=1, keepdims=True)
        ismax = jnp.logical_and(masked == mx, lanes < _NUM_E)
        eidx = jnp.min(jnp.where(ismax, lanes, 127), axis=1, keepdims=True)
        eidx_r[...] = jnp.broadcast_to(eidx, logits.shape)
        score_r[...] = jnp.broadcast_to(jax.nn.sigmoid(mx), logits.shape)

    x = xb_r[...]
    gate = lax.dot_general(x, gw_r[...].astype(jnp.bfloat16),
                           (((1,), (1,)), ((), ())),
                           preferred_element_type=jnp.float32)
    up = lax.dot_general(x, uw_r[...].astype(jnp.bfloat16),
                         (((1,), (1,)), ((), ())),
                         preferred_element_type=jnp.float32)
    act = up * gate * jax.nn.sigmoid(gate)
    o_r[...] += lax.dot_general(act.astype(jnp.bfloat16),
                                dw_r[...].astype(jnp.bfloat16),
                                (((1,), (1,)), ((), ())),
                                preferred_element_type=jnp.float32)


def _shared_call(hs, rw_pad, w_gu, w_d):
    T, H = hs.shape
    I2 = w_gu.shape[0]
    I = I2 // 2
    J = I // _SIB
    return pl.pallas_call(
        _shared_body,
        grid=(J,),
        in_specs=[
            pl.BlockSpec((T, H), lambda j: (0, 0)),
            pl.BlockSpec((_LANES, H), lambda j: (0, 0)),
            pl.BlockSpec((_SIB, H), lambda j: (j, 0)),
            pl.BlockSpec((_SIB, H), lambda j: (j + J, 0)),
            pl.BlockSpec((H, _SIB), lambda j: (0, j)),
        ],
        out_specs=[
            pl.BlockSpec((T, H), lambda j: (0, 0)),
            pl.BlockSpec((T, _LANES), lambda j: (0, 0)),
            pl.BlockSpec((T, _LANES), lambda j: (0, 0)),
        ],
        out_shape=[
            jax.ShapeDtypeStruct((T, H), jnp.float32),
            jax.ShapeDtypeStruct((T, _LANES), jnp.int32),
            jax.ShapeDtypeStruct((T, _LANES), jnp.float32),
        ],
        scratch_shapes=[pltpu.VMEM((T, H), jnp.bfloat16)],
        compiler_params=pltpu.CompilerParams(
            dimension_semantics=("arbitrary",),
            vmem_limit_bytes=112 * 1024 * 1024),
        name="moe_shared_mlp_router",
    )(hs, rw_pad, w_gu, w_gu, w_d)



def _sc_scatter_rows_call(src, idx2d, n_out):
    N, H = src.shape
    NCH, CH = idx2d.shape[0], idx2d.shape[1]
    info = plsc.get_sparse_core_info()
    NC, NS = info.num_cores, info.num_subcores
    NW = NC * NS
    ch_w = NCH // NW
    mesh = plsc.VectorSubcoreMesh(core_axis_name="c", subcore_axis_name="s")

    @functools.partial(
        pl.kernel, mesh=mesh,
        out_type=jax.ShapeDtypeStruct((n_out, H), jnp.float32),
        scratch_types=[
            pltpu.VMEM((ch_w, CH), jnp.int32),
            pltpu.VMEM((CH, H), jnp.float32),
            pltpu.VMEM((CH, H), jnp.float32),
            pltpu.SemaphoreType.DMA,
            pltpu.SemaphoreType.DMA,
            pltpu.SemaphoreType.DMA,
            pltpu.SemaphoreType.DMA,
        ],
        name="moe_sc_scatter_rows",
    )
    def k(src_hbm, idx_hbm, out_hbm, idx_v, r0, r1, sg0, sg1, ss0, ss1):
        wid = lax.axis_index("s") * NC + lax.axis_index("c")
        pltpu.sync_copy(idx_hbm.at[pl.ds(wid * ch_w, ch_w)], idx_v)
        base = wid * ch_w * CH
        bufs = (r0, r1)
        gsems = (sg0, sg1)
        ssems = (ss0, ss1)
        gcp = [None] * ch_w
        scp = [None] * ch_w
        gcp[0] = pltpu.async_copy(
            src_hbm.at[pl.ds(base, CH)], bufs[0], gsems[0])
        for c in range(ch_w):
            b = c & 1
            if c + 1 < ch_w:
                if c - 1 >= 0:
                    scp[c - 1].wait()
                gcp[c + 1] = pltpu.async_copy(
                    src_hbm.at[pl.ds(base + (c + 1) * CH, CH)],
                    bufs[b ^ 1], gsems[b ^ 1])
            gcp[c].wait()
            scp[c] = pltpu.async_copy(
                bufs[b], out_hbm.at[idx_v.at[c]], ssems[b])
        if ch_w >= 2:
            scp[ch_w - 2].wait()
        scp[ch_w - 1].wait()

    return k(src, idx2d)



def _add_body(a_r, b_r, o_r):
    o_r[...] = a_r[...] + b_r[...]


def _add_call(shared_out, ffn_tok):
    T, H = shared_out.shape
    return pl.pallas_call(
        _add_body,
        grid=(T // _B,),
        in_specs=[
            pl.BlockSpec((_B, H), lambda m: (m, 0)),
            pl.BlockSpec((_B, H), lambda m: (m, 0)),
        ],
        out_specs=pl.BlockSpec((_B, H), lambda m: (m, 0)),
        out_shape=jax.ShapeDtypeStruct((T, H), jnp.float32),
        name="moe_final_add",
    )(shared_out, ffn_tok)



def kernel(hidden_states, router_w, gate_up_proj, down_proj,
           shared_gate_up_w, shared_down_w, adapter_data, run_index):
    T, H = hidden_states.shape
    E = gate_up_proj.shape[0]
    P = T + E * _B
    G = P // _BF

    rw_pad = jnp.zeros((_LANES, H), jnp.float32).at[:E, :].set(router_w)
    shared_out, eidx_w, score_w = _shared_call(hidden_states, rw_pad,
                                               shared_gate_up_w, shared_down_w)
    eidx = eidx_w[:, 0]
    score = score_w[:, 0]

    oh = (eidx[:, None] == jnp.arange(E)[None, :]).astype(jnp.int32)
    counts = jnp.sum(oh, axis=0)
    rank = jnp.sum(jnp.cumsum(oh, axis=0) * oh, axis=1) - 1
    nb = (counts + _BF - 1) // _BF
    cum_nb = jnp.cumsum(nb)
    base_blk = cum_nb - nb
    used = cum_nb[-1]
    pos = base_blk[eidx] * _BF + rank
    tid = (T + jnp.arange(P, dtype=jnp.int32) % _B).at[pos].set(
        jnp.arange(T, dtype=jnp.int32))
    s_sorted = jnp.zeros((P,), jnp.float32).at[pos].set(score)

    g_ids = jnp.arange(G, dtype=jnp.int32)
    be = jnp.minimum(jnp.sum((g_ids[:, None] >= cum_nb[None, :]).astype(
        jnp.int32), axis=1), E - 1).astype(jnp.int32)
    used_arr = jnp.full((1,), used, jnp.int32)

    x_sorted = _sc_scatter_rows_call(hidden_states, pos.reshape(T // 16, 16), P)
    ffn_sorted = _ffn_call(be, used_arr, x_sorted,
                           s_sorted[:, None], gate_up_proj, down_proj)
    ffn_tok = _sc_scatter_rows_call(ffn_sorted, tid.reshape(P // 16, 16),
                                    T + _B)
    out = _add_call(shared_out, ffn_tok)
    return out

# --- scband reference (transcript-rebuilt; emitter-appended) ---
"""Pipeline reference for scband-llama4-text-moe-55035710931369 (READ-ONLY COPY).

The authoritative reference and input builder live on the scoring server;
editing this copy changes nothing except your own understanding.
"""

import jax, jax.numpy as jnp
import numpy as np

E = 8        # num_local_experts
TOP_K = 1    # num_experts_per_tok
H = 2048     # hidden_size
I = 2048     # intermediate_size
T = 2048     # tokens (batch=1 * seq_len=2048)


def setup_inputs(seed: int = 0) -> dict:
    key = jax.random.key(seed)
    ks = jax.random.split(key, 6)
    hidden_states = jax.random.normal(ks[0], (T, H), dtype=jnp.float32)
    router_w = jax.random.normal(ks[1], (E, H), dtype=jnp.float32) * 0.02
    gate_up_proj = jax.random.normal(ks[2], (E, H, 2 * I), dtype=jnp.float32) * 0.02
    down_proj = jax.random.normal(ks[3], (E, I, H), dtype=jnp.float32) * 0.02
    shared_gate_up_w = jax.random.normal(ks[4], (2 * I, H), dtype=jnp.float32) * 0.02
    shared_down_w = jax.random.normal(ks[5], (H, I), dtype=jnp.float32) * 0.02
    return {
        "hidden_states": hidden_states,
        "router_w": router_w,
        "gate_up_proj": gate_up_proj,
        "down_proj": down_proj,
        "shared_gate_up_w": shared_gate_up_w,
        "shared_down_w": shared_down_w,
        "adapter_data": 0,
        "run_index": 1,
    }


def reference(hidden_states, router_w, gate_up_proj, down_proj,
              shared_gate_up_w, shared_down_w, adapter_data, run_index):
    Tn, Hd = hidden_states.shape
    # router (FastLinear, no bias)
    router_logits = hidden_states @ router_w.T  # [T, E]
    router_top_value, router_indices = jax.lax.top_k(router_logits, TOP_K)
    neg = jnp.full(router_logits.shape, -jnp.inf, dtype=router_logits.dtype)
    rows = jnp.arange(Tn)[:, None]
    router_scores = neg.at[rows, router_indices].set(router_top_value).T  # [E, T]
    router_scores = jax.nn.sigmoid(router_scores.astype(jnp.float32)).astype(hidden_states.dtype)
    # gather: every token is replicated for every expert (expert-major order)
    routed_in = jnp.broadcast_to(hidden_states[None], (E, Tn, Hd)).reshape(E * Tn, Hd)
    routed_in = routed_in * router_scores.reshape(-1, 1)
    # Llama4TextExperts: batched expert MLP
    hs = routed_in.reshape(E, Tn, Hd)
    gate_up = jnp.einsum('eth,ehd->etd', hs, gate_up_proj)  # [E, T, 2I]
    gate, up = jnp.split(gate_up, 2, axis=-1)
    next_states = jnp.einsum('eti,eih->eth', up * jax.nn.silu(gate), down_proj)
    routed_out = next_states.reshape(E * Tn, Hd)
    # shared expert MLP
    gu = hidden_states @ shared_gate_up_w.T  # [T, 2I]
    gu = gu.reshape(-1, 2, I)
    out = (jax.nn.silu(gu[:, 0]) * gu[:, 1]) @ shared_down_w.T  # [T, H]
    # scatter_add routed expert outputs back to token rows
    idx = jnp.tile(jnp.arange(Tn), E)
    out = out.at[idx].add(routed_out)
    return out

if __name__ == "__main__":
    import jax
    _d = setup_inputs()
    print(jax.jit(kernel)(*tuple(_d.values())))

</pallas_src>

<mosaic_0001>
#map = affine_map<(d0, d1) -> (0, 0)>
module attributes {stable_mosaic.version = 14 : i64} {
  func.func @moe_sc_scatter_rows(%arg0: i32, %arg1: i32, %arg2: memref<2048x2048xf32, #tpu.memory_space<hbm>>, %arg3: memref<128x16xi32, #tpu.memory_space<hbm>>, %arg4: memref<4096x2048xf32, #tpu.memory_space<hbm>>, %arg5: memref<4x16xi32, #tpu.memory_space<vmem>>, %arg6: memref<16x2048xf32, #tpu.memory_space<vmem>>, %arg7: memref<16x2048xf32, #tpu.memory_space<vmem>>, %arg8: memref<!tpu.dma_semaphore, #tpu.memory_space<semaphore_mem>>, %arg9: memref<!tpu.dma_semaphore, #tpu.memory_space<semaphore_mem>>, %arg10: memref<!tpu.dma_semaphore, #tpu.memory_space<semaphore_mem>>, %arg11: memref<!tpu.dma_semaphore, #tpu.memory_space<semaphore_mem>>) attributes {dimension_semantics = [#tpu.dimension_semantics<core_parallel>, #tpu.dimension_semantics<subcore_parallel>], iteration_bounds = array<i64: 2, 16>, scalar_prefetch = 0 : i64, scratch_operands = 7 : i64, tpu.core_type = #tpu.core_type<sc_vector_subcore>, window_params = [{transform_indices = #map}, {transform_indices = #map}, {transform_indices = #map}]} {
    %mul3A = arith.constant 2 : i32
    %mul3A_0 = arith.muli %arg1, %mul3A : i32
    %add3A = arith.addi %mul3A_0, %arg0 : i32
    %mul3A_1 = arith.constant 4 : i32
    %mul3A_2 = arith.muli %add3A, %mul3A_1 : i32
    "tpu.region"() ({
      %run_scoped3A = tpu.sem_alloc : memref<!tpu.dma_semaphore, #tpu.memory_space<semaphore_mem>>
      %dma_start3A_99 = arith.constant 0 : i32
      %dma_start3A_100 = tpu.memref_slice %arg3[%mul3A_2, %dma_start3A_99] : memref<128x16xi32, #tpu.memory_space<hbm>> -> memref<4x16xi32, #tpu.memory_space<hbm>>
      %dma_start3A_101 = arith.constant 0 : i32
      %dma_start3A_102 = tpu.memref_slice %arg3[%mul3A_2, %dma_start3A_101] : memref<128x16xi32, #tpu.memory_space<hbm>> -> memref<4x16xi32, #tpu.memory_space<hbm>>
      tpu.enqueue_dma source(%dma_start3A_102 : memref<4x16xi32, #tpu.memory_space<hbm>>) target(%arg5 : memref<4x16xi32, #tpu.memory_space<vmem>>) target_semaphore(%run_scoped3A : memref<!tpu.dma_semaphore, #tpu.memory_space<semaphore_mem>>)
      %dma_wait3A_103 = arith.constant 0 : i32
      %dma_wait3A_104 = tpu.memref_slice %arg3[%mul3A_2, %dma_wait3A_103] : memref<128x16xi32, #tpu.memory_space<hbm>> -> memref<4x16xi32, #tpu.memory_space<hbm>>
      %dma_wait3A_105 = arith.constant 0 : i32
      %dma_wait3A_106 = tpu.memref_slice %arg3[%mul3A_2, %dma_wait3A_105] : memref<128x16xi32, #tpu.memory_space<hbm>> -> memref<4x16xi32, #tpu.memory_space<hbm>>
      tpu.wait_dma2 semaphore(%run_scoped3A : memref<!tpu.dma_semaphore, #tpu.memory_space<semaphore_mem>>) src(%dma_wait3A_106 : memref<4x16xi32, #tpu.memory_space<hbm>>) dst(%arg5 : memref<4x16xi32, #tpu.memory_space<vmem>>)
      tpu.yield
    }) : () -> ()
    %mul3A_3 = arith.constant 4 : i32
    %mul3A_4 = arith.muli %add3A, %mul3A_3 : i32
    %mul3A_5 = arith.constant 16 : i32
    %mul3A_6 = arith.muli %mul3A_4, %mul3A_5 : i32
    %dma_start3A = arith.constant 0 : i32
    %dma_start3A_7 = tpu.memref_slice %arg2[%mul3A_6, %dma_start3A] : memref<2048x2048xf32, #tpu.memory_space<hbm>> -> memref<16x2048xf32, #tpu.memory_space<hbm>>
    %dma_start3A_8 = arith.constant 0 : i32
    %dma_start3A_9 = tpu.memref_slice %arg2[%mul3A_6, %dma_start3A_8] : memref<2048x2048xf32, #tpu.memory_space<hbm>> -> memref<16x2048xf32, #tpu.memory_space<hbm>>
    tpu.enqueue_dma source(%dma_start3A_9 : memref<16x2048xf32, #tpu.memory_space<hbm>>) target(%arg6 : memref<16x2048xf32, #tpu.memory_space<vmem>>) target_semaphore(%arg8 : memref<!tpu.dma_semaphore, #tpu.memory_space<semaphore_mem>>)
    %add3A_10 = arith.constant 16 : i32
    %add3A_11 = arith.addi %mul3A_6, %add3A_10 : i32
    %dma_start3A_12 = arith.constant 0 : i32
    %dma_start3A_13 = tpu.memref_slice %arg2[%add3A_11, %dma_start3A_12] : memref<2048x2048xf32, #tpu.memory_space<hbm>> -> memref<16x2048xf32, #tpu.memory_space<hbm>>
    %dma_start3A_14 = arith.constant 0 : i32
    %dma_start3A_15 = tpu.memref_slice %arg2[%add3A_11, %dma_start3A_14] : memref<2048x2048xf32, #tpu.memory_space<hbm>> -> memref<16x2048xf32, #tpu.memory_space<hbm>>
    tpu.enqueue_dma source(%dma_start3A_15 : memref<16x2048xf32, #tpu.memory_space<hbm>>) target(%arg7 : memref<16x2048xf32, #tpu.memory_space<vmem>>) target_semaphore(%arg9 : memref<!tpu.dma_semaphore, #tpu.memory_space<semaphore_mem>>)
    %dma_wait3A = arith.constant 0 : i32
    %dma_wait3A_16 = tpu.memref_slice %arg2[%mul3A_6, %dma_wait3A] : memref<2048x2048xf32, #tpu.memory_space<hbm>> -> memref<16x2048xf32, #tpu.memory_space<hbm>>
    %dma_wait3A_17 = arith.constant 0 : i32
    %dma_wait3A_18 = tpu.memref_slice %arg2[%mul3A_6, %dma_wait3A_17] : memref<2048x2048xf32, #tpu.memory_space<hbm>> -> memref<16x2048xf32, #tpu.memory_space<hbm>>
    tpu.wait_dma2 semaphore(%arg8 : memref<!tpu.dma_semaphore, #tpu.memory_space<semaphore_mem>>) src(%dma_wait3A_18 : memref<16x2048xf32, #tpu.memory_space<hbm>>) dst(%arg6 : memref<16x2048xf32, #tpu.memory_space<vmem>>)
    %dma_start3A_19 = arith.constant 0 : i32
    %dma_start3A_20 = arith.constant 0 : i32
    %dma_start3A_21 = tpu.memref_slice %arg5[%dma_start3A_19, %dma_start3A_20] : memref<4x16xi32, #tpu.memory_space<vmem>> -> memref<1x16xi32, #tpu.memory_space<vmem>>
    %dma_start3A_22 = tpu.memref_squeeze %dma_start3A_21 : memref<1x16xi32, #tpu.memory_space<vmem>> -> memref<16xi32, #tpu.memory_space<vmem>>
    %dma_start3A_23 = arith.constant 0 : i32
    %dma_start3A_24 = arith.constant 0 : i32
    %dma_start3A_25 = tpu.memref_slice %arg4[%dma_start3A_23, %dma_start3A_24] : memref<4096x2048xf32, #tpu.memory_space<hbm>> -> memref<4096x2048xf32, #tpu.memory_space<hbm>>
    tpu.enqueue_indirect_dma source(%arg6 : memref<16x2048xf32, #tpu.memory_space<vmem>>) target(%dma_start3A_25 : memref<4096x2048xf32, #tpu.memory_space<hbm>>) offsets(%dma_start3A_22 : memref<16xi32, #tpu.memory_space<vmem>>) semaphore(%arg10 : memref<!tpu.dma_semaphore, #tpu.memory_space<semaphore_mem>>)
    %dma_wait3A_26 = arith.constant 0 : i32
    %dma_wait3A_27 = arith.constant 0 : i32
    %dma_wait3A_28 = tpu.memref_slice %arg5[%dma_wait3A_26, %dma_wait3A_27] : memref<4x16xi32, #tpu.memory_space<vmem>> -> memref<1x16xi32, #tpu.memory_space<vmem>>
    %dma_wait3A_29 = tpu.memref_squeeze %dma_wait3A_28 : memref<1x16xi32, #tpu.memory_space<vmem>> -> memref<16xi32, #tpu.memory_space<vmem>>
    %dma_wait3A_30 = arith.constant 0 : i32
    %dma_wait3A_31 = arith.constant 0 : i32
    %dma_wait3A_32 = tpu.memref_slice %arg4[%dma_wait3A_30, %dma_wait3A_31] : memref<4096x2048xf32, #tpu.memory_space<hbm>> -> memref<4096x2048xf32, #tpu.memory_space<hbm>>
    tpu.wait_indirect_dma semaphore(%arg10 : memref<!tpu.dma_semaphore, #tpu.memory_space<semaphore_mem>>) src(%arg6 : memref<16x2048xf32, #tpu.memory_space<vmem>>) dst(%dma_wait3A_32 : memref<4096x2048xf32, #tpu.memory_space<hbm>>)
    %add3A_33 = arith.constant 32 : i32
    %add3A_34 = arith.addi %mul3A_6, %add3A_33 : i32
    %dma_start3A_35 = arith.constant 0 : i32
    %dma_start3A_36 = tpu.memref_slice %arg2[%add3A_34, %dma_start3A_35] : memref<2048x2048xf32, #tpu.memory_space<hbm>> -> memref<16x2048xf32, #tpu.memory_space<hbm>>
    %dma_start3A_37 = arith.constant 0 : i32
    %dma_start3A_38 = tpu.memref_slice %arg2[%add3A_34, %dma_start3A_37] : memref<2048x2048xf32, #tpu.memory_space<hbm>> -> memref<16x2048xf32, #tpu.memory_space<hbm>>
    tpu.enqueue_dma source(%dma_start3A_38 : memref<16x2048xf32, #tpu.memory_space<hbm>>) target(%arg6 : memref<16x2048xf32, #tpu.memory_space<vmem>>) target_semaphore(%arg8 : memref<!tpu.dma_semaphore, #tpu.memory_space<semaphore_mem>>)
    %dma_wait3A_39 = arith.constant 0 : i32
    %dma_wait3A_40 = tpu.memref_slice %arg2[%add3A_11, %dma_wait3A_39] : memref<2048x2048xf32, #tpu.memory_space<hbm>> -> memref<16x2048xf32, #tpu.memory_space<hbm>>
    %dma_wait3A_41 = arith.constant 0 : i32
    %dma_wait3A_42 = tpu.memref_slice %arg2[%add3A_11, %dma_wait3A_41] : memref<2048x2048xf32, #tpu.memory_space<hbm>> -> memref<16x2048xf32, #tpu.memory_space<hbm>>
    tpu.wait_dma2 semaphore(%arg9 : memref<!tpu.dma_semaphore, #tpu.memory_space<semaphore_mem>>) src(%dma_wait3A_42 : memref<16x2048xf32, #tpu.memory_space<hbm>>) dst(%arg7 : memref<16x2048xf32, #tpu.memory_space<vmem>>)
    %dma_start3A_43 = arith.constant 1 : i32
    %dma_start3A_44 = arith.constant 0 : i32
    %dma_start3A_45 = tpu.memref_slice %arg5[%dma_start3A_43, %dma_start3A_44] : memref<4x16xi32, #tpu.memory_space<vmem>> -> memref<1x16xi32, #tpu.memory_space<vmem>>
    %dma_start3A_46 = tpu.memref_squeeze %dma_start3A_45 : memref<1x16xi32, #tpu.memory_space<vmem>> -> memref<16xi32, #tpu.memory_space<vmem>>
    %dma_start3A_47 = arith.constant 0 : i32
    %dma_start3A_48 = arith.constant 0 : i32
    %dma_start3A_49 = tpu.memref_slice %arg4[%dma_start3A_47, %dma_start3A_48] : memref<4096x2048xf32, #tpu.memory_space<hbm>> -> memref<4096x2048xf32, #tpu.memory_space<hbm>>
    tpu.enqueue_indirect_dma source(%arg7 : memref<16x2048xf32, #tpu.memory_space<vmem>>) target(%dma_start3A_49 : memref<4096x2048xf32, #tpu.memory_space<hbm>>) offsets(%dma_start3A_46 : memref<16xi32, #tpu.memory_space<vmem>>) semaphore(%arg11 : memref<!tpu.dma_semaphore, #tpu.memory_space<semaphore_mem>>)
    %dma_wait3A_50 = arith.constant 1 : i32
    %dma_wait3A_51 = arith.constant 0 : i32
    %dma_wait3A_52 = tpu.memref_slice %arg5[%dma_wait3A_50, %dma_wait3A_51] : memref<4x16xi32, #tpu.memory_space<vmem>> -> memref<1x16xi32, #tpu.memory_space<vmem>>
    %dma_wait3A_53 = tpu.memref_squeeze %dma_wait3A_52 : memref<1x16xi32, #tpu.memory_space<vmem>> -> memref<16xi32, #tpu.memory_space<vmem>>
    %dma_wait3A_54 = arith.constant 0 : i32
    %dma_wait3A_55 = arith.constant 0 : i32
    %dma_wait3A_56 = tpu.memref_slice %arg4[%dma_wait3A_54, %dma_wait3A_55] : memref<4096x2048xf32, #tpu.memory_space<hbm>> -> memref<4096x2048xf32, #tpu.memory_space<hbm>>
    tpu.wait_indirect_dma semaphore(%arg11 : memref<!tpu.dma_semaphore, #tpu.memory_space<semaphore_mem>>) src(%arg7 : memref<16x2048xf32, #tpu.memory_space<vmem>>) dst(%dma_wait3A_56 : memref<4096x2048xf32, #tpu.memory_space<hbm>>)
    %add3A_57 = arith.constant 48 : i32
    %add3A_58 = arith.addi %mul3A_6, %add3A_57 : i32
    %dma_start3A_59 = arith.constant 0 : i32
    %dma_start3A_60 = tpu.memref_slice %arg2[%add3A_58, %dma_start3A_59] : memref<2048x2048xf32, #tpu.memory_space<hbm>> -> memref<16x2048xf32, #tpu.memory_space<hbm>>
    %dma_start3A_61 = arith.constant 0 : i32
    %dma_start3A_62 = tpu.memref_slice %arg2[%add3A_58, %dma_start3A_61] : memref<2048x2048xf32, #tpu.memory_space<hbm>> -> memref<16x2048xf32, #tpu.memory_space<hbm>>
    tpu.enqueue_dma source(%dma_start3A_62 : memref<16x2048xf32, #tpu.memory_space<hbm>>) target(%arg7 : memref<16x2048xf32, #tpu.memory_space<vmem>>) target_semaphore(%arg9 : memref<!tpu.dma_semaphore, #tpu.memory_space<semaphore_mem>>)
    %dma_wait3A_63 = arith.constant 0 : i32
    %dma_wait3A_64 = tpu.memref_slice %arg2[%add3A_34, %dma_wait3A_63] : memref<2048x2048xf32, #tpu.memory_space<hbm>> -> memref<16x2048xf32, #tpu.memory_space<hbm>>
    %dma_wait3A_65 = arith.constant 0 : i32
    %dma_wait3A_66 = tpu.memref_slice %arg2[%add3A_34, %dma_wait3A_65] : memref<2048x2048xf32, #tpu.memory_space<hbm>> -> memref<16x2048xf32, #tpu.memory_space<hbm>>
    tpu.wait_dma2 semaphore(%arg8 : memref<!tpu.dma_semaphore, #tpu.memory_space<semaphore_mem>>) src(%dma_wait3A_66 : memref<16x2048xf32, #tpu.memory_space<hbm>>) dst(%arg6 : memref<16x2048xf32, #tpu.memory_space<vmem>>)
    %dma_start3A_67 = arith.constant 2 : i32
    %dma_start3A_68 = arith.constant 0 : i32
    %dma_start3A_69 = tpu.memref_slice %arg5[%dma_start3A_67, %dma_start3A_68] : memref<4x16xi32, #tpu.memory_space<vmem>> -> memref<1x16xi32, #tpu.memory_space<vmem>>
    %dma_start3A_70 = tpu.memref_squeeze %dma_start3A_69 : memref<1x16xi32, #tpu.memory_space<vmem>> -> memref<16xi32, #tpu.memory_space<vmem>>
    %dma_start3A_71 = arith.constant 0 : i32
    %dma_start3A_72 = arith.constant 0 : i32
    %dma_start3A_73 = tpu.memref_slice %arg4[%dma_start3A_71, %dma_start3A_72] : memref<4096x2048xf32, #tpu.memory_space<hbm>> -> memref<4096x2048xf32, #tpu.memory_space<hbm>>
    tpu.enqueue_indirect_dma source(%arg6 : memref<16x2048xf32, #tpu.memory_space<vmem>>) target(%dma_start3A_73 : memref<4096x2048xf32, #tpu.memory_space<hbm>>) offsets(%dma_start3A_70 : memref<16xi32, #tpu.memory_space<vmem>>) semaphore(%arg10 : memref<!tpu.dma_semaphore, #tpu.memory_space<semaphore_mem>>)
    %dma_wait3A_74 = arith.constant 0 : i32
    %dma_wait3A_75 = tpu.memref_slice %arg2[%add3A_58, %dma_wait3A_74] : memref<2048x2048xf32, #tpu.memory_space<hbm>> -> memref<16x2048xf32, #tpu.memory_space<hbm>>
    %dma_wait3A_76 = arith.constant 0 : i32
    %dma_wait3A_77 = tpu.memref_slice %arg2[%add3A_58, %dma_wait3A_76] : memref<2048x2048xf32, #tpu.memory_space<hbm>> -> memref<16x2048xf32, #tpu.memory_space<hbm>>
    tpu.wait_dma2 semaphore(%arg9 : memref<!tpu.dma_semaphore, #tpu.memory_space<semaphore_mem>>) src(%dma_wait3A_77 : memref<16x2048xf32, #tpu.memory_space<hbm>>) dst(%arg7 : memref<16x2048xf32, #tpu.memory_space<vmem>>)
    %dma_start3A_78 = arith.constant 3 : i32
    %dma_start3A_79 = arith.constant 0 : i32
    %dma_start3A_80 = tpu.memref_slice %arg5[%dma_start3A_78, %dma_start3A_79] : memref<4x16xi32, #tpu.memory_space<vmem>> -> memref<1x16xi32, #tpu.memory_space<vmem>>
    %dma_start3A_81 = tpu.memref_squeeze %dma_start3A_80 : memref<1x16xi32, #tpu.memory_space<vmem>> -> memref<16xi32, #tpu.memory_space<vmem>>
    %dma_start3A_82 = arith.constant 0 : i32
    %dma_start3A_83 = arith.constant 0 : i32
    %dma_start3A_84 = tpu.memref_slice %arg4[%dma_start3A_82, %dma_start3A_83] : memref<4096x2048xf32, #tpu.memory_space<hbm>> -> memref<4096x2048xf32, #tpu.memory_space<hbm>>
    tpu.enqueue_indirect_dma source(%arg7 : memref<16x2048xf32, #tpu.memory_space<vmem>>) target(%dma_start3A_84 : memref<4096x2048xf32, #tpu.memory_space<hbm>>) offsets(%dma_start3A_81 : memref<16xi32, #tpu.memory_space<vmem>>) semaphore(%arg11 : memref<!tpu.dma_semaphore, #tpu.memory_space<semaphore_mem>>)
    %dma_wait3A_85 = arith.constant 2 : i32
    %dma_wait3A_86 = arith.constant 0 : i32
    %dma_wait3A_87 = tpu.memref_slice %arg5[%dma_wait3A_85, %dma_wait3A_86] : memref<4x16xi32, #tpu.memory_space<vmem>> -> memref<1x16xi32, #tpu.memory_space<vmem>>
    %dma_wait3A_88 = tpu.memref_squeeze %dma_wait3A_87 : memref<1x16xi32, #tpu.memory_space<vmem>> -> memref<16xi32, #tpu.memory_space<vmem>>
    %dma_wait3A_89 = arith.constant 0 : i32
    %dma_wait3A_90 = arith.constant 0 : i32
    %dma_wait3A_91 = tpu.memref_slice %arg4[%dma_wait3A_89, %dma_wait3A_90] : memref<4096x2048xf32, #tpu.memory_space<hbm>> -> memref<4096x2048xf32, #tpu.memory_space<hbm>>
    tpu.wait_indirect_dma semaphore(%arg10 : memref<!tpu.dma_semaphore, #tpu.memory_space<semaphore_mem>>) src(%arg6 : memref<16x2048xf32, #tpu.memory_space<vmem>>) dst(%dma_wait3A_91 : memref<4096x2048xf32, #tpu.memory_space<hbm>>)
    %dma_wait3A_92 = arith.constant 3 : i32
    %dma_wait3A_93 = arith.constant 0 : i32
    %dma_wait3A_94 = tpu.memref_slice %arg5[%dma_wait3A_92, %dma_wait3A_93] : memref<4x16xi32, #tpu.memory_space<vmem>> -> memref<1x16xi32, #tpu.memory_space<vmem>>
    %dma_wait3A_95 = tpu.memref_squeeze %dma_wait3A_94 : memref<1x16xi32, #tpu.memory_space<vmem>> -> memref<16xi32, #tpu.memory_space<vmem>>
    %dma_wait3A_96 = arith.constant 0 : i32
    %dma_wait3A_97 = arith.constant 0 : i32
    %dma_wait3A_98 = tpu.memref_slice %arg4[%dma_wait3A_96, %dma_wait3A_97] : memref<4096x2048xf32, #tpu.memory_space<hbm>> -> memref<4096x2048xf32, #tpu.memory_space<hbm>>
    tpu.wait_indirect_dma semaphore(%arg11 : memref<!tpu.dma_semaphore, #tpu.memory_space<semaphore_mem>>) src(%arg7 : memref<16x2048xf32, #tpu.memory_space<vmem>>) dst(%dma_wait3A_98 : memref<4096x2048xf32, #tpu.memory_space<hbm>>)
    return
  }
}

#map = affine_map<(d0, d1) -> (0, 0)>
module attributes {stable_mosaic.version = 14 : i64} {
  func.func @moe_sc_scatter_rows(%arg0: i32, %arg1: i32, %arg2: memref<4096x2048xf32, #tpu.memory_space<hbm>>, %arg3: memref<256x16xi32, #tpu.memory_space<hbm>>, %arg4: memref<2304x2048xf32, #tpu.memory_space<hbm>>, %arg5: memref<8x16xi32, #tpu.memory_space<vmem>>, %arg6: memref<16x2048xf32, #tpu.memory_space<vmem>>, %arg7: memref<16x2048xf32, #tpu.memory_space<vmem>>, %arg8: memref<!tpu.dma_semaphore, #tpu.memory_space<semaphore_mem>>, %arg9: memref<!tpu.dma_semaphore, #tpu.memory_space<semaphore_mem>>, %arg10: memref<!tpu.dma_semaphore, #tpu.memory_space<semaphore_mem>>, %arg11: memref<!tpu.dma_semaphore, #tpu.memory_space<semaphore_mem>>) attributes {dimension_semantics = [#tpu.dimension_semantics<core_parallel>, #tpu.dimension_semantics<subcore_parallel>], iteration_bounds = array<i64: 2, 16>, scalar_prefetch = 0 : i64, scratch_operands = 7 : i64, tpu.core_type = #tpu.core_type<sc_vector_subcore>, window_params = [{transform_indices = #map}, {transform_indices = #map}, {transform_indices = #map}]} {
    %mul3A = arith.constant 2 : i32
    %mul3A_0 = arith.muli %arg1, %mul3A : i32
    %add3A = arith.addi %mul3A_0, %arg0 : i32
    %mul3A_1 = arith.constant 8 : i32
    %mul3A_2 = arith.muli %add3A, %mul3A_1 : i32
    "tpu.region"() ({
      %run_scoped3A = tpu.sem_alloc : memref<!tpu.dma_semaphore, #tpu.memory_space<semaphore_mem>>
      %dma_start3A_195 = arith.constant 0 : i32
      %dma_start3A_196 = tpu.memref_slice %arg3[%mul3A_2, %dma_start3A_195] : memref<256x16xi32, #tpu.memory_space<hbm>> -> memref<8x16xi32, #tpu.memory_space<hbm>>
      %dma_start3A_197 = arith.constant 0 : i32
      %dma_start3A_198 = tpu.memref_slice %arg3[%mul3A_2, %dma_start3A_197] : memref<256x16xi32, #tpu.memory_space<hbm>> -> memref<8x16xi32, #tpu.memory_space<hbm>>
      tpu.enqueue_dma source(%dma_start3A_198 : memref<8x16xi32, #tpu.memory_space<hbm>>) target(%arg5 : memref<8x16xi32, #tpu.memory_space<vmem>>) target_semaphore(%run_scoped3A : memref<!tpu.dma_semaphore, #tpu.memory_space<semaphore_mem>>)
      %dma_wait3A_199 = arith.constant 0 : i32
      %dma_wait3A_200 = tpu.memref_slice %arg3[%mul3A_2, %dma_wait3A_199] : memref<256x16xi32, #tpu.memory_space<hbm>> -> memref<8x16xi32, #tpu.memory_space<hbm>>
      %dma_wait3A_201 = arith.constant 0 : i32
      %dma_wait3A_202 = tpu.memref_slice %arg3[%mul3A_2, %dma_wait3A_201] : memref<256x16xi32, #tpu.memory_space<hbm>> -> memref<8x16xi32, #tpu.memory_space<hbm>>
      tpu.wait_dma2 semaphore(%run_scoped3A : memref<!tpu.dma_semaphore, #tpu.memory_space<semaphore_mem>>) src(%dma_wait3A_202 : memref<8x16xi32, #tpu.memory_space<hbm>>) dst(%arg5 : memref<8x16xi32, #tpu.memory_space<vmem>>)
      tpu.yield
    }) : () -> ()
    %mul3A_3 = arith.constant 8 : i32
    %mul3A_4 = arith.muli %add3A, %mul3A_3 : i32
    %mul3A_5 = arith.constant 16 : i32
    %mul3A_6 = arith.muli %mul3A_4, %mul3A_5 : i32
    %dma_start3A = arith.constant 0 : i32
    %dma_start3A_7 = tpu.memref_slice %arg2[%mul3A_6, %dma_start3A] : memref<4096x2048xf32, #tpu.memory_space<hbm>> -> memref<16x2048xf32, #tpu.memory_space<hbm>>
    %dma_start3A_8 = arith.constant 0 : i32
    %dma_start3A_9 = tpu.memref_slice %arg2[%mul3A_6, %dma_start3A_8] : memref<4096x2048xf32, #tpu.memory_space<hbm>> -> memref<16x2048xf32, #tpu.memory_space<hbm>>
    tpu.enqueue_dma source(%dma_start3A_9 : memref<16x2048xf32, #tpu.memory_space<hbm>>) target(%arg6 : memref<16x2048xf32, #tpu.memory_space<vmem>>) target_semaphore(%arg8 : memref<!tpu.dma_semaphore, #tpu.memory_space<semaphore_mem>>)
    %add3A_10 = arith.constant 16 : i32
    %add3A_11 = arith.addi %mul3A_6, %add3A_10 : i32
    %dma_start3A_12 = arith.constant 0 : i32
    %dma_start3A_13 = tpu.memref_slice %arg2[%add3A_11, %dma_start3A_12] : memref<4096x2048xf32, #tpu.memory_space<hbm>> -> memref<16x2048xf32, #tpu.memory_space<hbm>>
    %dma_start3A_14 = arith.constant 0 : i32
    %dma_start3A_15 = tpu.memref_slice %arg2[%add3A_11, %dma_start3A_14] : memref<4096x2048xf32, #tpu.memory_space<hbm>> -> memref<16x2048xf32, #tpu.memory_space<hbm>>
    tpu.enqueue_dma source(%dma_start3A_15 : memref<16x2048xf32, #tpu.memory_space<hbm>>) target(%arg7 : memref<16x2048xf32, #tpu.memory_space<vmem>>) target_semaphore(%arg9 : memref<!tpu.dma_semaphore, #tpu.memory_space<semaphore_mem>>)
    %dma_wait3A = arith.constant 0 : i32
    %dma_wait3A_16 = tpu.memref_slice %arg2[%mul3A_6, %dma_wait3A] : memref<4096x2048xf32, #tpu.memory_space<hbm>> -> memref<16x2048xf32, #tpu.memory_space<hbm>>
    %dma_wait3A_17 = arith.constant 0 : i32
    %dma_wait3A_18 = tpu.memref_slice %arg2[%mul3A_6, %dma_wait3A_17] : memref<4096x2048xf32, #tpu.memory_space<hbm>> -> memref<16x2048xf32, #tpu.memory_space<hbm>>
    tpu.wait_dma2 semaphore(%arg8 : memref<!tpu.dma_semaphore, #tpu.memory_space<semaphore_mem>>) src(%dma_wait3A_18 : memref<16x2048xf32, #tpu.memory_space<hbm>>) dst(%arg6 : memref<16x2048xf32, #tpu.memory_space<vmem>>)
    %dma_start3A_19 = arith.constant 0 : i32
    %dma_start3A_20 = arith.constant 0 : i32
    %dma_start3A_21 = tpu.memref_slice %arg5[%dma_start3A_19, %dma_start3A_20] : memref<8x16xi32, #tpu.memory_space<vmem>> -> memref<1x16xi32, #tpu.memory_space<vmem>>
    %dma_start3A_22 = tpu.memref_squeeze %dma_start3A_21 : memref<1x16xi32, #tpu.memory_space<vmem>> -> memref<16xi32, #tpu.memory_space<vmem>>
    %dma_start3A_23 = arith.constant 0 : i32
    %dma_start3A_24 = arith.constant 0 : i32
    %dma_start3A_25 = tpu.memref_slice %arg4[%dma_start3A_23, %dma_start3A_24] : memref<2304x2048xf32, #tpu.memory_space<hbm>> -> memref<2304x2048xf32, #tpu.memory_space<hbm>>
    tpu.enqueue_indirect_dma source(%arg6 : memref<16x2048xf32, #tpu.memory_space<vmem>>) target(%dma_start3A_25 : memref<2304x2048xf32, #tpu.memory_space<hbm>>) offsets(%dma_start3A_22 : memref<16xi32, #tpu.memory_space<vmem>>) semaphore(%arg10 : memref<!tpu.dma_semaphore, #tpu.memory_space<semaphore_mem>>)
    %dma_wait3A_26 = arith.constant 0 : i32
    %dma_wait3A_27 = arith.constant 0 : i32
    %dma_wait3A_28 = tpu.memref_slice %arg5[%dma_wait3A_26, %dma_wait3A_27] : memref<8x16xi32, #tpu.memory_space<vmem>> -> memref<1x16xi32, #tpu.memory_space<vmem>>
    %dma_wait3A_29 = tpu.memref_squeeze %dma_wait3A_28 : memref<1x16xi32, #tpu.memory_space<vmem>> -> memref<16xi32, #tpu.memory_space<vmem>>
    %dma_wait3A_30 = arith.constant 0 : i32
    %dma_wait3A_31 = arith.constant 0 : i32
    %dma_wait3A_32 = tpu.memref_slice %arg4[%dma_wait3A_30, %dma_wait3A_31] : memref<2304x2048xf32, #tpu.memory_space<hbm>> -> memref<2304x2048xf32, #tpu.memory_space<hbm>>
    tpu.wait_indirect_dma semaphore(%arg10 : memref<!tpu.dma_semaphore, #tpu.memory_space<semaphore_mem>>) src(%arg6 : memref<16x2048xf32, #tpu.memory_space<vmem>>) dst(%dma_wait3A_32 : memref<2304x2048xf32, #tpu.memory_space<hbm>>)
    %add3A_33 = arith.constant 32 : i32
    %add3A_34 = arith.addi %mul3A_6, %add3A_33 : i32
    %dma_start3A_35 = arith.constant 0 : i32
    %dma_start3A_36 = tpu.memref_slice %arg2[%add3A_34, %dma_start3A_35] : memref<4096x2048xf32, #tpu.memory_space<hbm>> -> memref<16x2048xf32, #tpu.memory_space<hbm>>
    %dma_start3A_37 = arith.constant 0 : i32
    %dma_start3A_38 = tpu.memref_slice %arg2[%add3A_34, %dma_start3A_37] : memref<4096x2048xf32, #tpu.memory_space<hbm>> -> memref<16x2048xf32, #tpu.memory_space<hbm>>
    tpu.enqueue_dma source(%dma_start3A_38 : memref<16x2048xf32, #tpu.memory_space<hbm>>) target(%arg6 : memref<16x2048xf32, #tpu.memory_space<vmem>>) target_semaphore(%arg8 : memref<!tpu.dma_semaphore, #tpu.memory_space<semaphore_mem>>)
    %dma_wait3A_39 = arith.constant 0 : i32
    %dma_wait3A_40 = tpu.memref_slice %arg2[%add3A_11, %dma_wait3A_39] : memref<4096x2048xf32, #tpu.memory_space<hbm>> -> memref<16x2048xf32, #tpu.memory_space<hbm>>
    %dma_wait3A_41 = arith.constant 0 : i32
    %dma_wait3A_42 = tpu.memref_slice %arg2[%add3A_11, %dma_wait3A_41] : memref<4096x2048xf32, #tpu.memory_space<hbm>> -> memref<16x2048xf32, #tpu.memory_space<hbm>>
    tpu.wait_dma2 semaphore(%arg9 : memref<!tpu.dma_semaphore, #tpu.memory_space<semaphore_mem>>) src(%dma_wait3A_42 : memref<16x2048xf32, #tpu.memory_space<hbm>>) dst(%arg7 : memref<16x2048xf32, #tpu.memory_space<vmem>>)
    %dma_start3A_43 = arith.constant 1 : i32
    %dma_start3A_44 = arith.constant 0 : i32
    %dma_start3A_45 = tpu.memref_slice %arg5[%dma_start3A_43, %dma_start3A_44] : memref<8x16xi32, #tpu.memory_space<vmem>> -> memref<1x16xi32, #tpu.memory_space<vmem>>
    %dma_start3A_46 = tpu.memref_squeeze %dma_start3A_45 : memref<1x16xi32, #tpu.memory_space<vmem>> -> memref<16xi32, #tpu.memory_space<vmem>>
    %dma_start3A_47 = arith.constant 0 : i32
    %dma_start3A_48 = arith.constant 0 : i32
    %dma_start3A_49 = tpu.memref_slice %arg4[%dma_start3A_47, %dma_start3A_48] : memref<2304x2048xf32, #tpu.memory_space<hbm>> -> memref<2304x2048xf32, #tpu.memory_space<hbm>>
    tpu.enqueue_indirect_dma source(%arg7 : memref<16x2048xf32, #tpu.memory_space<vmem>>) target(%dma_start3A_49 : memref<2304x2048xf32, #tpu.memory_space<hbm>>) offsets(%dma_start3A_46 : memref<16xi32, #tpu.memory_space<vmem>>) semaphore(%arg11 : memref<!tpu.dma_semaphore, #tpu.memory_space<semaphore_mem>>)
    %dma_wait3A_50 = arith.constant 1 : i32
    %dma_wait3A_51 = arith.constant 0 : i32
    %dma_wait3A_52 = tpu.memref_slice %arg5[%dma_wait3A_50, %dma_wait3A_51] : memref<8x16xi32, #tpu.memory_space<vmem>> -> memref<1x16xi32, #tpu.memory_space<vmem>>
    %dma_wait3A_53 = tpu.memref_squeeze %dma_wait3A_52 : memref<1x16xi32, #tpu.memory_space<vmem>> -> memref<16xi32, #tpu.memory_space<vmem>>
    %dma_wait3A_54 = arith.constant 0 : i32
    %dma_wait3A_55 = arith.constant 0 : i32
    %dma_wait3A_56 = tpu.memref_slice %arg4[%dma_wait3A_54, %dma_wait3A_55] : memref<2304x2048xf32, #tpu.memory_space<hbm>> -> memref<2304x2048xf32, #tpu.memory_space<hbm>>
    tpu.wait_indirect_dma semaphore(%arg11 : memref<!tpu.dma_semaphore, #tpu.memory_space<semaphore_mem>>) src(%arg7 : memref<16x2048xf32, #tpu.memory_space<vmem>>) dst(%dma_wait3A_56 : memref<2304x2048xf32, #tpu.memory_space<hbm>>)
    %add3A_57 = arith.constant 48 : i32
    %add3A_58 = arith.addi %mul3A_6, %add3A_57 : i32
    %dma_start3A_59 = arith.constant 0 : i32
    %dma_start3A_60 = tpu.memref_slice %arg2[%add3A_58, %dma_start3A_59] : memref<4096x2048xf32, #tpu.memory_space<hbm>> -> memref<16x2048xf32, #tpu.memory_space<hbm>>
    %dma_start3A_61 = arith.constant 0 : i32
    %dma_start3A_62 = tpu.memref_slice %arg2[%add3A_58, %dma_start3A_61] : memref<4096x2048xf32, #tpu.memory_space<hbm>> -> memref<16x2048xf32, #tpu.memory_space<hbm>>
    tpu.enqueue_dma source(%dma_start3A_62 : memref<16x2048xf32, #tpu.memory_space<hbm>>) target(%arg7 : memref<16x2048xf32, #tpu.memory_space<vmem>>) target_semaphore(%arg9 : memref<!tpu.dma_semaphore, #tpu.memory_space<semaphore_mem>>)
    %dma_wait3A_63 = arith.constant 0 : i32
    %dma_wait3A_64 = tpu.memref_slice %arg2[%add3A_34, %dma_wait3A_63] : memref<4096x2048xf32, #tpu.memory_space<hbm>> -> memref<16x2048xf32, #tpu.memory_space<hbm>>
    %dma_wait3A_65 = arith.constant 0 : i32
    %dma_wait3A_66 = tpu.memref_slice %arg2[%add3A_34, %dma_wait3A_65] : memref<4096x2048xf32, #tpu.memory_space<hbm>> -> memref<16x2048xf32, #tpu.memory_space<hbm>>
    tpu.wait_dma2 semaphore(%arg8 : memref<!tpu.dma_semaphore, #tpu.memory_space<semaphore_mem>>) src(%dma_wait3A_66 : memref<16x2048xf32, #tpu.memory_space<hbm>>) dst(%arg6 : memref<16x2048xf32, #tpu.memory_space<vmem>>)
    %dma_start3A_67 = arith.constant 2 : i32
    %dma_start3A_68 = arith.constant 0 : i32
    %dma_start3A_69 = tpu.memref_slice %arg5[%dma_start3A_67, %dma_start3A_68] : memref<8x16xi32, #tpu.memory_space<vmem>> -> memref<1x16xi32, #tpu.memory_space<vmem>>
    %dma_start3A_70 = tpu.memref_squeeze %dma_start3A_69 : memref<1x16xi32, #tpu.memory_space<vmem>> -> memref<16xi32, #tpu.memory_space<vmem>>
    %dma_start3A_71 = arith.constant 0 : i32
    %dma_start3A_72 = arith.constant 0 : i32
    %dma_start3A_73 = tpu.memref_slice %arg4[%dma_start3A_71, %dma_start3A_72] : memref<2304x2048xf32, #tpu.memory_space<hbm>> -> memref<2304x2048xf32, #tpu.memory_space<hbm>>
    tpu.enqueue_indirect_dma source(%arg6 : memref<16x2048xf32, #tpu.memory_space<vmem>>) target(%dma_start3A_73 : memref<2304x2048xf32, #tpu.memory_space<hbm>>) offsets(%dma_start3A_70 : memref<16xi32, #tpu.memory_space<vmem>>) semaphore(%arg10 : memref<!tpu.dma_semaphore, #tpu.memory_space<semaphore_mem>>)
    %dma_wait3A_74 = arith.constant 2 : i32
    %dma_wait3A_75 = arith.constant 0 : i32
    %dma_wait3A_76 = tpu.memref_slice %arg5[%dma_wait3A_74, %dma_wait3A_75] : memref<8x16xi32, #tpu.memory_space<vmem>> -> memref<1x16xi32, #tpu.memory_space<vmem>>
    %dma_wait3A_77 = tpu.memref_squeeze %dma_wait3A_76 : memref<1x16xi32, #tpu.memory_space<vmem>> -> memref<16xi32, #tpu.memory_space<vmem>>
    %dma_wait3A_78 = arith.constant 0 : i32
    %dma_wait3A_79 = arith.constant 0 : i32
    %dma_wait3A_80 = tpu.memref_slice %arg4[%dma_wait3A_78, %dma_wait3A_79] : memref<2304x2048xf32, #tpu.memory_space<hbm>> -> memref<2304x2048xf32, #tpu.memory_space<hbm>>
    tpu.wait_indirect_dma semaphore(%arg10 : memref<!tpu.dma_semaphore, #tpu.memory_space<semaphore_mem>>) src(%arg6 : memref<16x2048xf32, #tpu.memory_space<vmem>>) dst(%dma_wait3A_80 : memref<2304x2048xf32, #tpu.memory_space<hbm>>)
    %add3A_81 = arith.constant 64 : i32
    %add3A_82 = arith.addi %mul3A_6, %add3A_81 : i32
    %dma_start3A_83 = arith.constant 0 : i32
    %dma_start3A_84 = tpu.memref_slice %arg2[%add3A_82, %dma_start3A_83] : memref<4096x2048xf32, #tpu.memory_space<hbm>> -> memref<16x2048xf32, #tpu.memory_space<hbm>>
    %dma_start3A_85 = arith.constant 0 : i32
    %dma_start3A_86 = tpu.memref_slice %arg2[%add3A_82, %dma_start3A_85] : memref<4096x2048xf32, #tpu.memory_space<hbm>> -> memref<16x2048xf32, #tpu.memory_space<hbm>>
    tpu.enqueue_dma source(%dma_start3A_86 : memref<16x2048xf32, #tpu.memory_space<hbm>>) target(%arg6 : memref<16x2048xf32, #tpu.memory_space<vmem>>) target_semaphore(%arg8 : memref<!tpu.dma_semaphore, #tpu.memory_space<semaphore_mem>>)
    %dma_wait3A_87 = arith.constant 0 : i32
    %dma_wait3A_88 = tpu.memref_slice %arg2[%add3A_58, %dma_wait3A_87] : memref<4096x2048xf32, #tpu.memory_space<hbm>> -> memref<16x2048xf32, #tpu.memory_space<hbm>>
    %dma_wait3A_89 = arith.constant 0 : i32
    %dma_wait3A_90 = tpu.memref_slice %arg2[%add3A_58, %dma_wait3A_89] : memref<4096x2048xf32, #tpu.memory_space<hbm>> -> memref<16x2048xf32, #tpu.memory_space<hbm>>
    tpu.wait_dma2 semaphore(%arg9 : memref<!tpu.dma_semaphore, #tpu.memory_space<semaphore_mem>>) src(%dma_wait3A_90 : memref<16x2048xf32, #tpu.memory_space<hbm>>) dst(%arg7 : memref<16x2048xf32, #tpu.memory_space<vmem>>)
    %dma_start3A_91 = arith.constant 3 : i32
    %dma_start3A_92 = arith.constant 0 : i32
    %dma_start3A_93 = tpu.memref_slice %arg5[%dma_start3A_91, %dma_start3A_92] : memref<8x16xi32, #tpu.memory_space<vmem>> -> memref<1x16xi32, #tpu.memory_space<vmem>>
    %dma_start3A_94 = tpu.memref_squeeze %dma_start3A_93 : memref<1x16xi32, #tpu.memory_space<vmem>> -> memref<16xi32, #tpu.memory_space<vmem>>
    %dma_start3A_95 = arith.constant 0 : i32
    %dma_start3A_96 = arith.constant 0 : i32
    %dma_start3A_97 = tpu.memref_slice %arg4[%dma_start3A_95, %dma_start3A_96] : memref<2304x2048xf32, #tpu.memory_space<hbm>> -> memref<2304x2048xf32, #tpu.memory_space<hbm>>
    tpu.enqueue_indirect_dma source(%arg7 : memref<16x2048xf32, #tpu.memory_space<vmem>>) target(%dma_start3A_97 : memref<2304x2048xf32, #tpu.memory_space<hbm>>) offsets(%dma_start3A_94 : memref<16xi32, #tpu.memory_space<vmem>>) semaphore(%arg11 : memref<!tpu.dma_semaphore, #tpu.memory_space<semaphore_mem>>)
    %dma_wait3A_98 = arith.constant 3 : i32
    %dma_wait3A_99 = arith.constant 0 : i32
    %dma_wait3A_100 = tpu.memref_slice %arg5[%dma_wait3A_98, %dma_wait3A_99] : memref<8x16xi32, #tpu.memory_space<vmem>> -> memref<1x16xi32, #tpu.memory_space<vmem>>
    %dma_wait3A_101 = tpu.memref_squeeze %dma_wait3A_100 : memref<1x16xi32, #tpu.memory_space<vmem>> -> memref<16xi32, #tpu.memory_space<vmem>>
    %dma_wait3A_102 = arith.constant 0 : i32
    %dma_wait3A_103 = arith.constant 0 : i32
    %dma_wait3A_104 = tpu.memref_slice %arg4[%dma_wait3A_102, %dma_wait3A_103] : memref<2304x2048xf32, #tpu.memory_space<hbm>> -> memref<2304x2048xf32, #tpu.memory_space<hbm>>
    tpu.wait_indirect_dma semaphore(%arg11 : memref<!tpu.dma_semaphore, #tpu.memory_space<semaphore_mem>>) src(%arg7 : memref<16x2048xf32, #tpu.memory_space<vmem>>) dst(%dma_wait3A_104 : memref<2304x2048xf32, #tpu.memory_space<hbm>>)
    %add3A_105 = arith.constant 80 : i32
    %add3A_106 = arith.addi %mul3A_6, %add3A_105 : i32
    %dma_start3A_107 = arith.constant 0 : i32
    %dma_start3A_108 = tpu.memref_slice %arg2[%add3A_106, %dma_start3A_107] : memref<4096x2048xf32, #tpu.memory_space<hbm>> -> memref<16x2048xf32, #tpu.memory_space<hbm>>
    %dma_start3A_109 = arith.constant 0 : i32
    %dma_start3A_110 = tpu.memref_slice %arg2[%add3A_106, %dma_start3A_109] : memref<4096x2048xf32, #tpu.memory_space<hbm>> -> memref<16x2048xf32, #tpu.memory_space<hbm>>
    tpu.enqueue_dma source(%dma_start3A_110 : memref<16x2048xf32, #tpu.memory_space<hbm>>) target(%arg7 : memref<16x2048xf32, #tpu.memory_space<vmem>>) target_semaphore(%arg9 : memref<!tpu.dma_semaphore, #tpu.memory_space<semaphore_mem>>)
    %dma_wait3A_111 = arith.constant 0 : i32
    %dma_wait3A_112 = tpu.memref_slice %arg2[%add3A_82, %dma_wait3A_111] : memref<4096x2048xf32, #tpu.memory_space<hbm>> -> memref<16x2048xf32, #tpu.memory_space<hbm>>
    %dma_wait3A_113 = arith.constant 0 : i32
    %dma_wait3A_114 = tpu.memref_slice %arg2[%add3A_82, %dma_wait3A_113] : memref<4096x2048xf32, #tpu.memory_space<hbm>> -> memref<16x2048xf32, #tpu.memory_space<hbm>>
    tpu.wait_dma2 semaphore(%arg8 : memref<!tpu.dma_semaphore, #tpu.memory_space<semaphore_mem>>) src(%dma_wait3A_114 : memref<16x2048xf32, #tpu.memory_space<hbm>>) dst(%arg6 : memref<16x2048xf32, #tpu.memory_space<vmem>>)
    %dma_start3A_115 = arith.constant 4 : i32
    %dma_start3A_116 = arith.constant 0 : i32
    %dma_start3A_117 = tpu.memref_slice %arg5[%dma_start3A_115, %dma_start3A_116] : memref<8x16xi32, #tpu.memory_space<vmem>> -> memref<1x16xi32, #tpu.memory_space<vmem>>
    %dma_start3A_118 = tpu.memref_squeeze %dma_start3A_117 : memref<1x16xi32, #tpu.memory_space<vmem>> -> memref<16xi32, #tpu.memory_space<vmem>>
    %dma_start3A_119 = arith.constant 0 : i32
    %dma_start3A_120 = arith.constant 0 : i32
    %dma_start3A_121 = tpu.memref_slice %arg4[%dma_start3A_119, %dma_start3A_120] : memref<2304x2048xf32, #tpu.memory_space<hbm>> -> memref<2304x2048xf32, #tpu.memory_space<hbm>>
    tpu.enqueue_indirect_dma source(%arg6 : memref<16x2048xf32, #tpu.memory_space<vmem>>) target(%dma_start3A_121 : memref<2304x2048xf32, #tpu.memory_space<hbm>>) offsets(%dma_start3A_118 : memref<16xi32, #tpu.memory_space<vmem>>) semaphore(%arg10 : memref<!tpu.dma_semaphore, #tpu.memory_space<semaphore_mem>>)
    %dma_wait3A_122 = arith.constant 4 : i32
    %dma_wait3A_123 = arith.constant 0 : i32
    %dma_wait3A_124 = tpu.memref_slice %arg5[%dma_wait3A_122, %dma_wait3A_123] : memref<8x16xi32, #tpu.memory_space<vmem>> -> memref<1x16xi32, #tpu.memory_space<vmem>>
    %dma_wait3A_125 = tpu.memref_squeeze %dma_wait3A_124 : memref<1x16xi32, #tpu.memory_space<vmem>> -> memref<16xi32, #tpu.memory_space<vmem>>
    %dma_wait3A_126 = arith.constant 0 : i32
    %dma_wait3A_127 = arith.constant 0 : i32
    %dma_wait3A_128 = tpu.memref_slice %arg4[%dma_wait3A_126, %dma_wait3A_127] : memref<2304x2048xf32, #tpu.memory_space<hbm>> -> memref<2304x2048xf32, #tpu.memory_space<hbm>>
    tpu.wait_indirect_dma semaphore(%arg10 : memref<!tpu.dma_semaphore, #tpu.memory_space<semaphore_mem>>) src(%arg6 : memref<16x2048xf32, #tpu.memory_space<vmem>>) dst(%dma_wait3A_128 : memref<2304x2048xf32, #tpu.memory_space<hbm>>)
    %add3A_129 = arith.constant 96 : i32
    %add3A_130 = arith.addi %mul3A_6, %add3A_129 : i32
    %dma_start3A_131 = arith.constant 0 : i32
    %dma_start3A_132 = tpu.memref_slice %arg2[%add3A_130, %dma_start3A_131] : memref<4096x2048xf32, #tpu.memory_space<hbm>> -> memref<16x2048xf32, #tpu.memory_space<hbm>>
    %dma_start3A_133 = arith.constant 0 : i32
    %dma_start3A_134 = tpu.memref_slice %arg2[%add3A_130, %dma_start3A_133] : memref<4096x2048xf32, #tpu.memory_space<hbm>> -> memref<16x2048xf32, #tpu.memory_space<hbm>>
    tpu.enqueue_dma source(%dma_start3A_134 : memref<16x2048xf32, #tpu.memory_space<hbm>>) target(%arg6 : memref<16x2048xf32, #tpu.memory_space<vmem>>) target_semaphore(%arg8 : memref<!tpu.dma_semaphore, #tpu.memory_space<semaphore_mem>>)
    %dma_wait3A_135 = arith.constant 0 : i32
    %dma_wait3A_136 = tpu.memref_slice %arg2[%add3A_106, %dma_wait3A_135] : memref<4096x2048xf32, #tpu.memory_space<hbm>> -> memref<16x2048xf32, #tpu.memory_space<hbm>>
    %dma_wait3A_137 = arith.constant 0 : i32
    %dma_wait3A_138 = tpu.memref_slice %arg2[%add3A_106, %dma_wait3A_137] : memref<4096x2048xf32, #tpu.memory_space<hbm>> -> memref<16x2048xf32, #tpu.memory_space<hbm>>
    tpu.wait_dma2 semaphore(%arg9 : memref<!tpu.dma_semaphore, #tpu.memory_space<semaphore_mem>>) src(%dma_wait3A_138 : memref<16x2048xf32, #tpu.memory_space<hbm>>) dst(%arg7 : memref<16x2048xf32, #tpu.memory_space<vmem>>)
    %dma_start3A_139 = arith.constant 5 : i32
    %dma_start3A_140 = arith.constant 0 : i32
    %dma_start3A_141 = tpu.memref_slice %arg5[%dma_start3A_139, %dma_start3A_140] : memref<8x16xi32, #tpu.memory_space<vmem>> -> memref<1x16xi32, #tpu.memory_space<vmem>>
    %dma_start3A_142 = tpu.memref_squeeze %dma_start3A_141 : memref<1x16xi32, #tpu.memory_space<vmem>> -> memref<16xi32, #tpu.memory_space<vmem>>
    %dma_start3A_143 = arith.constant 0 : i32
    %dma_start3A_144 = arith.constant 0 : i32
    %dma_start3A_145 = tpu.memref_slice %arg4[%dma_start3A_143, %dma_start3A_144] : memref<2304x2048xf32, #tpu.memory_space<hbm>> -> memref<2304x2048xf32, #tpu.memory_space<hbm>>
    tpu.enqueue_indirect_dma source(%arg7 : memref<16x2048xf32, #tpu.memory_space<vmem>>) target(%dma_start3A_145 : memref<2304x2048xf32, #tpu.memory_space<hbm>>) offsets(%dma_start3A_142 : memref<16xi32, #tpu.memory_space<vmem>>) semaphore(%arg11 : memref<!tpu.dma_semaphore, #tpu.memory_space<semaphore_mem>>)
    %dma_wait3A_146 = arith.constant 5 : i32
    %dma_wait3A_147 = arith.constant 0 : i32
    %dma_wait3A_148 = tpu.memref_slice %arg5[%dma_wait3A_146, %dma_wait3A_147] : memref<8x16xi32, #tpu.memory_space<vmem>> -> memref<1x16xi32, #tpu.memory_space<vmem>>
    %dma_wait3A_149 = tpu.memref_squeeze %dma_wait3A_148 : memref<1x16xi32, #tpu.memory_space<vmem>> -> memref<16xi32, #tpu.memory_space<vmem>>
    %dma_wait3A_150 = arith.constant 0 : i32
    %dma_wait3A_151 = arith.constant 0 : i32
    %dma_wait3A_152 = tpu.memref_slice %arg4[%dma_wait3A_150, %dma_wait3A_151] : memref<2304x2048xf32, #tpu.memory_space<hbm>> -> memref<2304x2048xf32, #tpu.memory_space<hbm>>
    tpu.wait_indirect_dma semaphore(%arg11 : memref<!tpu.dma_semaphore, #tpu.memory_space<semaphore_mem>>) src(%arg7 : memref<16x2048xf32, #tpu.memory_space<vmem>>) dst(%dma_wait3A_152 : memref<2304x2048xf32, #tpu.memory_space<hbm>>)
    %add3A_153 = arith.constant 112 : i32
    %add3A_154 = arith.addi %mul3A_6, %add3A_153 : i32
    %dma_start3A_155 = arith.constant 0 : i32
    %dma_start3A_156 = tpu.memref_slice %arg2[%add3A_154, %dma_start3A_155] : memref<4096x2048xf32, #tpu.memory_space<hbm>> -> memref<16x2048xf32, #tpu.memory_space<hbm>>
    %dma_start3A_157 = arith.constant 0 : i32
    %dma_start3A_158 = tpu.memref_slice %arg2[%add3A_154, %dma_start3A_157] : memref<4096x2048xf32, #tpu.memory_space<hbm>> -> memref<16x2048xf32, #tpu.memory_space<hbm>>
    tpu.enqueue_dma source(%dma_start3A_158 : memref<16x2048xf32, #tpu.memory_space<hbm>>) target(%arg7 : memref<16x2048xf32, #tpu.memory_space<vmem>>) target_semaphore(%arg9 : memref<!tpu.dma_semaphore, #tpu.memory_space<semaphore_mem>>)
    %dma_wait3A_159 = arith.constant 0 : i32
    %dma_wait3A_160 = tpu.memref_slice %arg2[%add3A_130, %dma_wait3A_159] : memref<4096x2048xf32, #tpu.memory_space<hbm>> -> memref<16x2048xf32, #tpu.memory_space<hbm>>
    %dma_wait3A_161 = arith.constant 0 : i32
    %dma_wait3A_162 = tpu.memref_slice %arg2[%add3A_130, %dma_wait3A_161] : memref<4096x2048xf32, #tpu.memory_space<hbm>> -> memref<16x2048xf32, #tpu.memory_space<hbm>>
    tpu.wait_dma2 semaphore(%arg8 : memref<!tpu.dma_semaphore, #tpu.memory_space<semaphore_mem>>) src(%dma_wait3A_162 : memref<16x2048xf32, #tpu.memory_space<hbm>>) dst(%arg6 : memref<16x2048xf32, #tpu.memory_space<vmem>>)
    %dma_start3A_163 = arith.constant 6 : i32
    %dma_start3A_164 = arith.constant 0 : i32
    %dma_start3A_165 = tpu.memref_slice %arg5[%dma_start3A_163, %dma_start3A_164] : memref<8x16xi32, #tpu.memory_space<vmem>> -> memref<1x16xi32, #tpu.memory_space<vmem>>
    %dma_start3A_166 = tpu.memref_squeeze %dma_start3A_165 : memref<1x16xi32, #tpu.memory_space<vmem>> -> memref<16xi32, #tpu.memory_space<vmem>>
    %dma_start3A_167 = arith.constant 0 : i32
    %dma_start3A_168 = arith.constant 0 : i32
    %dma_start3A_169 = tpu.memref_slice %arg4[%dma_start3A_167, %dma_start3A_168] : memref<2304x2048xf32, #tpu.memory_space<hbm>> -> memref<2304x2048xf32, #tpu.memory_space<hbm>>
    tpu.enqueue_indirect_dma source(%arg6 : memref<16x2048xf32, #tpu.memory_space<vmem>>) target(%dma_start3A_169 : memref<2304x2048xf32, #tpu.memory_space<hbm>>) offsets(%dma_start3A_166 : memref<16xi32, #tpu.memory_space<vmem>>) semaphore(%arg10 : memref<!tpu.dma_semaphore, #tpu.memory_space<semaphore_mem>>)
    %dma_wait3A_170 = arith.constant 0 : i32
    %dma_wait3A_171 = tpu.memref_slice %arg2[%add3A_154, %dma_wait3A_170] : memref<4096x2048xf32, #tpu.memory_space<hbm>> -> memref<16x2048xf32, #tpu.memory_space<hbm>>
    %dma_wait3A_172 = arith.constant 0 : i32
    %dma_wait3A_173 = tpu.memref_slice %arg2[%add3A_154, %dma_wait3A_172] : memref<4096x2048xf32, #tpu.memory_space<hbm>> -> memref<16x2048xf32, #tpu.memory_space<hbm>>
    tpu.wait_dma2 semaphore(%arg9 : memref<!tpu.dma_semaphore, #tpu.memory_space<semaphore_mem>>) src(%dma_wait3A_173 : memref<16x2048xf32, #tpu.memory_space<hbm>>) dst(%arg7 : memref<16x2048xf32, #tpu.memory_space<vmem>>)
    %dma_start3A_174 = arith.constant 7 : i32
    %dma_start3A_175 = arith.constant 0 : i32
    %dma_start3A_176 = tpu.memref_slice %arg5[%dma_start3A_174, %dma_start3A_175] : memref<8x16xi32, #tpu.memory_space<vmem>> -> memref<1x16xi32, #tpu.memory_space<vmem>>
    %dma_start3A_177 = tpu.memref_squeeze %dma_start3A_176 : memref<1x16xi32, #tpu.memory_space<vmem>> -> memref<16xi32, #tpu.memory_space<vmem>>
    %dma_start3A_178 = arith.constant 0 : i32
    %dma_start3A_179 = arith.constant 0 : i32
    %dma_start3A_180 = tpu.memref_slice %arg4[%dma_start3A_178, %dma_start3A_179] : memref<2304x2048xf32, #tpu.memory_space<hbm>> -> memref<2304x2048xf32, #tpu.memory_space<hbm>>
    tpu.enqueue_indirect_dma source(%arg7 : memref<16x2048xf32, #tpu.memory_space<vmem>>) target(%dma_start3A_180 : memref<2304x2048xf32, #tpu.memory_space<hbm>>) offsets(%dma_start3A_177 : memref<16xi32, #tpu.memory_space<vmem>>) semaphore(%arg11 : memref<!tpu.dma_semaphore, #tpu.memory_space<semaphore_mem>>)
    %dma_wait3A_181 = arith.constant 6 : i32
    %dma_wait3A_182 = arith.constant 0 : i32
    %dma_wait3A_183 = tpu.memref_slice %arg5[%dma_wait3A_181, %dma_wait3A_182] : memref<8x16xi32, #tpu.memory_space<vmem>> -> memref<1x16xi32, #tpu.memory_space<vmem>>
    %dma_wait3A_184 = tpu.memref_squeeze %dma_wait3A_183 : memref<1x16xi32, #tpu.memory_space<vmem>> -> memref<16xi32, #tpu.memory_space<vmem>>
    %dma_wait3A_185 = arith.constant 0 : i32
    %dma_wait3A_186 = arith.constant 0 : i32
    %dma_wait3A_187 = tpu.memref_slice %arg4[%dma_wait3A_185, %dma_wait3A_186] : memref<2304x2048xf32, #tpu.memory_space<hbm>> -> memref<2304x2048xf32, #tpu.memory_space<hbm>>
    tpu.wait_indirect_dma semaphore(%arg10 : memref<!tpu.dma_semaphore, #tpu.memory_space<semaphore_mem>>) src(%arg6 : memref<16x2048xf32, #tpu.memory_space<vmem>>) dst(%dma_wait3A_187 : memref<2304x2048xf32, #tpu.memory_space<hbm>>)
    %dma_wait3A_188 = arith.constant 7 : i32
    %dma_wait3A_189 = arith.constant 0 : i32
    %dma_wait3A_190 = tpu.memref_slice %arg5[%dma_wait3A_188, %dma_wait3A_189] : memref<8x16xi32, #tpu.memory_space<vmem>> -> memref<1x16xi32, #tpu.memory_space<vmem>>
    %dma_wait3A_191 = tpu.memref_squeeze %dma_wait3A_190 : memref<1x16xi32, #tpu.memory_space<vmem>> -> memref<16xi32, #tpu.memory_space<vmem>>
    %dma_wait3A_192 = arith.constant 0 : i32
    %dma_wait3A_193 = arith.constant 0 : i32
    %dma_wait3A_194 = tpu.memref_slice %arg4[%dma_wait3A_192, %dma_wait3A_193] : memref<2304x2048xf32, #tpu.memory_space<hbm>> -> memref<2304x2048xf32, #tpu.memory_space<hbm>>
    tpu.wait_indirect_dma semaphore(%arg11 : memref<!tpu.dma_semaphore, #tpu.memory_space<semaphore_mem>>) src(%arg7 : memref<16x2048xf32, #tpu.memory_space<vmem>>) dst(%dma_wait3A_194 : memref<2304x2048xf32, #tpu.memory_space<hbm>>)
    return
  }
}

module attributes {stable_mosaic.version = 14 : i64} {
  func.func @moe_shared_mlp_router(%arg0: i32, %arg1: memref<2048x2048xf32, #tpu.memory_space<vmem>>, %arg2: memref<128x2048xf32, #tpu.memory_space<vmem>>, %arg3: memref<256x2048xf32, #tpu.memory_space<vmem>>, %arg4: memref<256x2048xf32, #tpu.memory_space<vmem>>, %arg5: memref<2048x256xf32, #tpu.memory_space<vmem>>, %arg6: memref<2048x2048xf32, #tpu.memory_space<vmem>>, %arg7: memref<2048x128xi32, #tpu.memory_space<vmem>>, %arg8: memref<2048x128xf32, #tpu.memory_space<vmem>>, %arg9: memref<2048x2048xbf16, #tpu.memory_space<vmem>>) attributes {dimension_semantics = [#tpu.dimension_semantics<arbitrary>], iteration_bounds = array<i64: 8>, scalar_prefetch = 0 : i64, scratch_operands = 1 : i64, tpu.core_type = #tpu.core_type<tc>, window_params = [{pipeline_mode = #tpu.pipeline_mode<synchronous>, transform_indices = @transform_0, window_bounds = array<i64: 2048, 2048>}, {pipeline_mode = #tpu.pipeline_mode<synchronous>, transform_indices = @transform_1, window_bounds = array<i64: 128, 2048>}, {transform_indices = @transform_2, window_bounds = array<i64: 256, 2048>}, {transform_indices = @transform_3, window_bounds = array<i64: 256, 2048>}, {transform_indices = @transform_4, window_bounds = array<i64: 2048, 256>}, {pipeline_mode = #tpu.pipeline_mode<synchronous>, transform_indices = @transform_5, window_bounds = array<i64: 2048, 2048>}, {pipeline_mode = #tpu.pipeline_mode<synchronous>, transform_indices = @transform_6, window_bounds = array<i64: 2048, 128>}, {pipeline_mode = #tpu.pipeline_mode<synchronous>, transform_indices = @transform_7, window_bounds = array<i64: 2048, 128>}]} {
    %eq3A = arith.constant 0 : i32
    %eq3A_0 = arith.cmpi eq, %arg0, %eq3A : i32
    %convert_element_type3A = arith.extui %eq3A_0 : i1 to i32
    %cond3A = arith.constant 0 : i32
    %cond3A_1 = arith.cmpi ne, %convert_element_type3A, %cond3A : i32
    scf.if %cond3A_1 {
      %broadcast_in_dim3A = arith.constant 0.000000e+00 : f32
      %broadcast_in_dim3A_33 = vector.broadcast %broadcast_in_dim3A : f32 to vector<2048x2048xf32>
      %swap3A_34 = arith.constant 0 : index
      %swap3A_35 = arith.constant 0 : index
      %swap3A_36 = vector.load %arg6[%swap3A_34, %swap3A_35] : memref<2048x2048xf32, #tpu.memory_space<vmem>>, vector<2048x2048xf32>
      tpu.vector_store %arg6[%swap3A_34, %swap3A_35], %broadcast_in_dim3A_33 {strides = array<i32>} : memref<2048x2048xf32, #tpu.memory_space<vmem>>, vector<2048x2048xf32>,
      %get3A_37 = arith.constant 0 : index
      %get3A_38 = arith.constant 0 : index
      %get3A_39 = vector.load %arg1[%get3A_37, %get3A_38] : memref<2048x2048xf32, #tpu.memory_space<vmem>>, vector<2048x2048xf32>
      %convert_element_type3A_40 = arith.truncf %get3A_39 : vector<2048x2048xf32> to vector<2048x2048xbf16>
      %swap3A_41 = arith.constant 0 : index
      %swap3A_42 = arith.constant 0 : index
      %swap3A_43 = vector.load %arg9[%swap3A_41, %swap3A_42] : memref<2048x2048xbf16, #tpu.memory_space<vmem>>, vector<2048x2048xbf16>
      tpu.vector_store %arg9[%swap3A_41, %swap3A_42], %convert_element_type3A_40 {strides = array<i32>} : memref<2048x2048xbf16, #tpu.memory_space<vmem>>, vector<2048x2048xbf16>,
      %get3A_44 = arith.constant 0 : index
      %get3A_45 = arith.constant 0 : index
      %get3A_46 = vector.load %arg1[%get3A_44, %get3A_45] : memref<2048x2048xf32, #tpu.memory_space<vmem>>, vector<2048x2048xf32>
      %get3A_47 = arith.constant 0 : index
      %get3A_48 = arith.constant 0 : index
      %get3A_49 = vector.load %arg2[%get3A_47, %get3A_48] : memref<128x2048xf32, #tpu.memory_space<vmem>>, vector<128x2048xf32>
      %dot_general3A_50 = arith.constant dense<0.000000e+00> : vector<2048x128xf32>
      %dot_general3A_51 = tpu.matmul %get3A_46, %get3A_49, %dot_general3A_50 {dimension_numbers = #tpu.dot_dimension_numbers<[1], [1], [0], [0], [0, 0, 1, 0], [], []>, transpose_lhs_hint = false} : vector<2048x2048xf32>, vector<128x2048xf32>, vector<2048x128xf32> -> vector<2048x128xf32>
      %iota3A = tpu.iota {dimensions = array<i32: 1>} : vector<2048x128xi32>
      %lt3A = arith.constant 8 : i32
      %lt3A_52 = vector.broadcast %lt3A : i32 to vector<2048x128xi32>
      %lt3A_53 = arith.cmpi slt, %iota3A, %lt3A_52 : vector<2048x128xi32>
      %broadcast_in_dim3A_54 = arith.constant 0xFF800000 : f32
      %broadcast_in_dim3A_55 = vector.broadcast %broadcast_in_dim3A_54 : f32 to vector<2048x128xf32>
      %select_n3A = arith.select %lt3A_53, %dot_general3A_51, %broadcast_in_dim3A_55 : vector<2048x128xi1>, vector<2048x128xf32>
      %reduce_max3A = arith.constant dense<0xFF800000> : vector<2048xf32>
      %reduce_max3A_56 = vector.multi_reduction <maximumf>, %select_n3A, %reduce_max3A [1] : vector<2048x128xf32> to vector<2048xf32>
      %broadcast_in_dim3A_57 = vector.shape_cast %reduce_max3A_56 : vector<2048xf32> to vector<2048x1xf32>
      %eq3A_58 = vector.broadcast %broadcast_in_dim3A_57 : vector<2048x1xf32> to vector<2048x128xf32>
      %eq3A_59 = arith.cmpf oeq, %select_n3A, %eq3A_58 : vector<2048x128xf32>
      %lt3A_60 = arith.constant 8 : i32
      %lt3A_61 = vector.broadcast %lt3A_60 : i32 to vector<2048x128xi32>
      %lt3A_62 = arith.cmpi slt, %iota3A, %lt3A_61 : vector<2048x128xi32>
      %and3A = arith.andi %eq3A_59, %lt3A_62 : vector<2048x128xi1>
      %jit3A = arith.constant 127 : i32
      %broadcast_in_dim3A_63 = vector.broadcast %jit3A : i32 to vector<2048x128xi32>
      %select_n3A_64 = arith.select %and3A, %iota3A, %broadcast_in_dim3A_63 : vector<2048x128xi1>, vector<2048x128xi32>
      %reduce_min3A = arith.constant dense<2147483647> : vector<2048xi32>
      %reduce_min3A_65 = vector.multi_reduction <minsi>, %select_n3A_64, %reduce_min3A [1] : vector<2048x128xi32> to vector<2048xi32>
      %broadcast_in_dim3A_66 = vector.shape_cast %reduce_min3A_65 : vector<2048xi32> to vector<2048x1xi32>
      %broadcast_in_dim3A_67 = vector.shape_cast %broadcast_in_dim3A_66 : vector<2048x1xi32> to vector<2048x1xi32>
      %broadcast_in_dim3A_68 = vector.broadcast %broadcast_in_dim3A_67 : vector<2048x1xi32> to vector<2048x128xi32>
      %swap3A_69 = arith.constant 0 : index
      %swap3A_70 = arith.constant 0 : index
      %swap3A_71 = vector.load %arg7[%swap3A_69, %swap3A_70] : memref<2048x128xi32, #tpu.memory_space<vmem>>, vector<2048x128xi32>
      tpu.vector_store %arg7[%swap3A_69, %swap3A_70], %broadcast_in_dim3A_68 {strides = array<i32>} : memref<2048x128xi32, #tpu.memory_space<vmem>>, vector<2048x128xi32>,
      %logistic3A_72 = arith.negf %broadcast_in_dim3A_57 : vector<2048x1xf32>
      %logistic3A_73 = math.exp %logistic3A_72 : vector<2048x1xf32>
      %logistic3A_74 = arith.constant 1.000000e+00 : f32
      %logistic3A_75 = vector.broadcast %logistic3A_74 : f32 to vector<2048x1xf32>
      %logistic3A_76 = arith.addf %logistic3A_75, %logistic3A_73 : vector<2048x1xf32>
      %logistic3A_77 = arith.divf %logistic3A_75, %logistic3A_76 : vector<2048x1xf32>
      %broadcast_in_dim3A_78 = vector.shape_cast %logistic3A_77 : vector<2048x1xf32> to vector<2048x1xf32>
      %broadcast_in_dim3A_79 = vector.broadcast %broadcast_in_dim3A_78 : vector<2048x1xf32> to vector<2048x128xf32>
      %swap3A_80 = arith.constant 0 : index
      %swap3A_81 = arith.constant 0 : index
      %swap3A_82 = vector.load %arg8[%swap3A_80, %swap3A_81] : memref<2048x128xf32, #tpu.memory_space<vmem>>, vector<2048x128xf32>
      tpu.vector_store %arg8[%swap3A_80, %swap3A_81], %broadcast_in_dim3A_79 {strides = array<i32>} : memref<2048x128xf32, #tpu.memory_space<vmem>>, vector<2048x128xf32>,
    } else {
    }
    %get3A = arith.constant 0 : index
    %get3A_2 = arith.constant 0 : index
    %get3A_3 = vector.load %arg9[%get3A, %get3A_2] : memref<2048x2048xbf16, #tpu.memory_space<vmem>>, vector<2048x2048xbf16>
    %get3A_4 = arith.constant 0 : index
    %get3A_5 = arith.constant 0 : index
    %get3A_6 = vector.load %arg3[%get3A_4, %get3A_5] : memref<256x2048xf32, #tpu.memory_space<vmem>>, vector<256x2048xf32>
    %convert_element_type3A_7 = arith.truncf %get3A_6 : vector<256x2048xf32> to vector<256x2048xbf16>
    %dot_general3A = arith.constant dense<0.000000e+00> : vector<2048x256xf32>
    %dot_general3A_8 = tpu.matmul %get3A_3, %convert_element_type3A_7, %dot_general3A {dimension_numbers = #tpu.dot_dimension_numbers<[1], [1], [0], [0], [0, 0, 1, 0], [], []>, transpose_lhs_hint = false} : vector<2048x2048xbf16>, vector<256x2048xbf16>, vector<2048x256xf32> -> vector<2048x256xf32>
    %get3A_9 = arith.constant 0 : index
    %get3A_10 = arith.constant 0 : index
    %get3A_11 = vector.load %arg4[%get3A_9, %get3A_10] : memref<256x2048xf32, #tpu.memory_space<vmem>>, vector<256x2048xf32>
    %convert_element_type3A_12 = arith.truncf %get3A_11 : vector<256x2048xf32> to vector<256x2048xbf16>
    %dot_general3A_13 = arith.constant dense<0.000000e+00> : vector<2048x256xf32>
    %dot_general3A_14 = tpu.matmul %get3A_3, %convert_element_type3A_12, %dot_general3A_13 {dimension_numbers = #tpu.dot_dimension_numbers<[1], [1], [0], [0], [0, 0, 1, 0], [], []>, transpose_lhs_hint = false} : vector<2048x2048xbf16>, vector<256x2048xbf16>, vector<2048x256xf32> -> vector<2048x256xf32>
    %mul3A = arith.mulf %dot_general3A_14, %dot_general3A_8 : vector<2048x256xf32>
    %logistic3A = arith.negf %dot_general3A_8 : vector<2048x256xf32>
    %logistic3A_15 = math.exp %logistic3A : vector<2048x256xf32>
    %logistic3A_16 = arith.constant 1.000000e+00 : f32
    %logistic3A_17 = vector.broadcast %logistic3A_16 : f32 to vector<2048x256xf32>
    %logistic3A_18 = arith.addf %logistic3A_17, %logistic3A_15 : vector<2048x256xf32>
    %logistic3A_19 = arith.divf %logistic3A_17, %logistic3A_18 : vector<2048x256xf32>
    %mul3A_20 = arith.mulf %mul3A, %logistic3A_19 : vector<2048x256xf32>
    %get3A_21 = arith.constant 0 : index
    %get3A_22 = arith.constant 0 : index
    %get3A_23 = vector.load %arg6[%get3A_21, %get3A_22] : memref<2048x2048xf32, #tpu.memory_space<vmem>>, vector<2048x2048xf32>
    %convert_element_type3A_24 = arith.truncf %mul3A_20 : vector<2048x256xf32> to vector<2048x256xbf16>
    %get3A_25 = arith.constant 0 : index
    %get3A_26 = arith.constant 0 : index
    %get3A_27 = vector.load %arg5[%get3A_25, %get3A_26] : memref<2048x256xf32, #tpu.memory_space<vmem>>, vector<2048x256xf32>
    %convert_element_type3A_28 = arith.truncf %get3A_27 : vector<2048x256xf32> to vector<2048x256xbf16>
    %dot_general3A_29 = arith.constant dense<0.000000e+00> : vector<2048x2048xf32>
    %dot_general3A_30 = tpu.matmul %convert_element_type3A_24, %convert_element_type3A_28, %dot_general3A_29 {dimension_numbers = #tpu.dot_dimension_numbers<[1], [1], [0], [0], [0, 0, 1, 0], [], []>, transpose_lhs_hint = false} : vector<2048x256xbf16>, vector<2048x256xbf16>, vector<2048x2048xf32> -> vector<2048x2048xf32>
    %add3A = arith.addf %get3A_23, %dot_general3A_30 : vector<2048x2048xf32>
    %swap3A = arith.constant 0 : index
    %swap3A_31 = arith.constant 0 : index
    %swap3A_32 = vector.load %arg6[%swap3A, %swap3A_31] : memref<2048x2048xf32, #tpu.memory_space<vmem>>, vector<2048x2048xf32>
    tpu.vector_store %arg6[%swap3A, %swap3A_31], %add3A {strides = array<i32>} : memref<2048x2048xf32, #tpu.memory_space<vmem>>, vector<2048x2048xf32>,
    return
  }
  func.func @transform_0(%arg0: i32) -> (i32, i32) {
    %c0_i32 = arith.constant 0 : i32
    %c0_i32_0 = arith.constant 0 : i32
    %c0_i32_1 = arith.constant 0 : i32
    return %c0_i32, %c0_i32_0 : i32, i32
  }
  func.func @transform_1(%arg0: i32) -> (i32, i32) {
    %c0_i32 = arith.constant 0 : i32
    %c0_i32_0 = arith.constant 0 : i32
    %c0_i32_1 = arith.constant 0 : i32
    return %c0_i32, %c0_i32_0 : i32, i32
  }
  func.func @transform_2(%arg0: i32) -> (i32, i32) {
    %c0_i32 = arith.constant 0 : i32
    %c0_i32_0 = arith.constant 0 : i32
    return %arg0, %c0_i32 : i32, i32
  }
  func.func @transform_3(%arg0: i32) -> (i32, i32) {
    %add3A = arith.constant 8 : i32
    %add3A_0 = arith.addi %arg0, %add3A : i32
    %c0_i32 = arith.constant 0 : i32
    %c0_i32_1 = arith.constant 0 : i32
    return %add3A_0, %c0_i32 : i32, i32
  }
  func.func @transform_4(%arg0: i32) -> (i32, i32) {
    %c0_i32 = arith.constant 0 : i32
    %c0_i32_0 = arith.constant 0 : i32
    return %c0_i32, %arg0 : i32, i32
  }
  func.func @transform_5(%arg0: i32) -> (i32, i32) {
    %c0_i32 = arith.constant 0 : i32
    %c0_i32_0 = arith.constant 0 : i32
    %c0_i32_1 = arith.constant 0 : i32
    return %c0_i32, %c0_i32_0 : i32, i32
  }
  func.func @transform_6(%arg0: i32) -> (i32, i32) {
    %c0_i32 = arith.constant 0 : i32
    %c0_i32_0 = arith.constant 0 : i32
    %c0_i32_1 = arith.constant 0 : i32
    return %c0_i32, %c0_i32_0 : i32, i32
  }
  func.func @transform_7(%arg0: i32) -> (i32, i32) {
    %c0_i32 = arith.constant 0 : i32
    %c0_i32_0 = arith.constant 0 : i32
    %c0_i32_1 = arith.constant 0 : i32
    return %c0_i32, %c0_i32_0 : i32, i32
  }
}

module attributes {stable_mosaic.version = 14 : i64} {
  func.func @moe_grouped_ffn(%arg0: i32, %arg1: i32, %arg2: memref<8xi32, #tpu.memory_space<smem>>, %arg3: memref<1xi32, #tpu.memory_space<smem>>, %arg4: memref<512x2048xf32, #tpu.memory_space<vmem>>, %arg5: memref<512x1xf32, #tpu.memory_space<vmem>>, %arg6: memref<1x2048x512xf32, #tpu.memory_space<vmem>>, %arg7: memref<1x2048x512xf32, #tpu.memory_space<vmem>>, %arg8: memref<1x512x2048xf32, #tpu.memory_space<vmem>>, %arg9: memref<512x2048xf32, #tpu.memory_space<vmem>>) attributes {dimension_semantics = [#tpu.dimension_semantics<arbitrary>, #tpu.dimension_semantics<arbitrary>], iteration_bounds = array<i64: 8, 4>, scalar_prefetch = 2 : i64, scratch_operands = 0 : i64, tpu.core_type = #tpu.core_type<tc>, window_params = [{transform_indices = @transform_0, window_bounds = array<i64: 512, 2048>}, {transform_indices = @transform_1, window_bounds = array<i64: 512, 1>}, {transform_indices = @transform_2, window_bounds = array<i64: 1, 2048, 512>}, {transform_indices = @transform_3, window_bounds = array<i64: 1, 2048, 512>}, {transform_indices = @transform_4, window_bounds = array<i64: 1, 512, 2048>}, {transform_indices = @transform_5, window_bounds = array<i64: 512, 2048>}]} {
    %get3A = arith.constant 0 : index
    %get3A_0 = memref.load %arg3[%get3A] : memref<1xi32, #tpu.memory_space<smem>>
    %lt3A = arith.cmpi slt, %arg0, %get3A_0 : i32
    %eq3A = arith.constant 0 : i32
    %eq3A_1 = arith.cmpi eq, %arg1, %eq3A : i32
    %and3A = arith.andi %lt3A, %eq3A_1 : i1
    %convert_element_type3A = arith.extui %and3A : i1 to i32
    %cond3A = arith.constant 0 : i32
    %cond3A_2 = arith.cmpi ne, %convert_element_type3A, %cond3A : i32
    scf.if %cond3A_2 {
      %broadcast_in_dim3A = arith.constant 0.000000e+00 : f32
      %broadcast_in_dim3A_6 = vector.broadcast %broadcast_in_dim3A : f32 to vector<512x2048xf32>
      %swap3A = arith.constant 0 : index
      %swap3A_7 = arith.constant 0 : index
      %swap3A_8 = vector.load %arg9[%swap3A, %swap3A_7] : memref<512x2048xf32, #tpu.memory_space<vmem>>, vector<512x2048xf32>
      tpu.vector_store %arg9[%swap3A, %swap3A_7], %broadcast_in_dim3A_6 {strides = array<i32>} : memref<512x2048xf32, #tpu.memory_space<vmem>>, vector<512x2048xf32>,
    } else {
    }
    %convert_element_type3A_3 = arith.extui %lt3A : i1 to i32
    %cond3A_4 = arith.constant 0 : i32
    %cond3A_5 = arith.cmpi ne, %convert_element_type3A_3, %cond3A_4 : i32
    scf.if %cond3A_5 {
      %get3A_6 = arith.constant 0 : index
      %get3A_7 = arith.constant 0 : index
      %get3A_8 = vector.load %arg4[%get3A_6, %get3A_7] : memref<512x2048xf32, #tpu.memory_space<vmem>>, vector<512x2048xf32>
      %convert_element_type3A_9 = arith.truncf %get3A_8 : vector<512x2048xf32> to vector<512x2048xbf16>
      %get3A_10 = arith.constant 0 : index
      %get3A_11 = arith.constant 0 : index
      %get3A_12 = vector.load %arg5[%get3A_10, %get3A_11] : memref<512x1xf32, #tpu.memory_space<vmem>>, vector<512x1xf32>
      %get3A_13 = arith.constant 0 : index
      %get3A_14 = arith.constant 0 : index
      %get3A_15 = arith.constant 0 : index
      %get3A_16 = vector.load %arg6[%get3A_13, %get3A_14, %get3A_15] : memref<1x2048x512xf32, #tpu.memory_space<vmem>>, vector<1x2048x512xf32>
      %get3A_17 = vector.shape_cast %get3A_16 : vector<1x2048x512xf32> to vector<2048x512xf32>
      %convert_element_type3A_18 = arith.truncf %get3A_17 : vector<2048x512xf32> to vector<2048x512xbf16>
      %dot_general3A = arith.constant dense<0.000000e+00> : vector<512x512xf32>
      %dot_general3A_19 = tpu.matmul %convert_element_type3A_9, %convert_element_type3A_18, %dot_general3A {dimension_numbers = #tpu.dot_dimension_numbers<[1], [0], [0], [1], [0, 0, 1, 1], [], []>, transpose_lhs_hint = false} : vector<512x2048xbf16>, vector<2048x512xbf16>, vector<512x512xf32> -> vector<512x512xf32>
      %mul3A = vector.broadcast %get3A_12 : vector<512x1xf32> to vector<512x512xf32>
      %mul3A_20 = arith.mulf %dot_general3A_19, %mul3A : vector<512x512xf32>
      %get3A_21 = arith.constant 0 : index
      %get3A_22 = arith.constant 0 : index
      %get3A_23 = arith.constant 0 : index
      %get3A_24 = vector.load %arg7[%get3A_21, %get3A_22, %get3A_23] : memref<1x2048x512xf32, #tpu.memory_space<vmem>>, vector<1x2048x512xf32>
      %get3A_25 = vector.shape_cast %get3A_24 : vector<1x2048x512xf32> to vector<2048x512xf32>
      %convert_element_type3A_26 = arith.truncf %get3A_25 : vector<2048x512xf32> to vector<2048x512xbf16>
      %dot_general3A_27 = arith.constant dense<0.000000e+00> : vector<512x512xf32>
      %dot_general3A_28 = tpu.matmul %convert_element_type3A_9, %convert_element_type3A_26, %dot_general3A_27 {dimension_numbers = #tpu.dot_dimension_numbers<[1], [0], [0], [1], [0, 0, 1, 1], [], []>, transpose_lhs_hint = false} : vector<512x2048xbf16>, vector<2048x512xbf16>, vector<512x512xf32> -> vector<512x512xf32>
      %mul3A_29 = vector.broadcast %get3A_12 : vector<512x1xf32> to vector<512x512xf32>
      %mul3A_30 = arith.mulf %dot_general3A_28, %mul3A_29 : vector<512x512xf32>
      %mul3A_31 = arith.mulf %mul3A_30, %mul3A_20 : vector<512x512xf32>
      %logistic3A = arith.negf %mul3A_20 : vector<512x512xf32>
      %logistic3A_32 = math.exp %logistic3A : vector<512x512xf32>
      %logistic3A_33 = arith.constant 1.000000e+00 : f32
      %logistic3A_34 = vector.broadcast %logistic3A_33 : f32 to vector<512x512xf32>
      %logistic3A_35 = arith.addf %logistic3A_34, %logistic3A_32 : vector<512x512xf32>
      %logistic3A_36 = arith.divf %logistic3A_34, %logistic3A_35 : vector<512x512xf32>
      %mul3A_37 = arith.mulf %mul3A_31, %logistic3A_36 : vector<512x512xf32>
      %get3A_38 = arith.constant 0 : index
      %get3A_39 = arith.constant 0 : index
      %get3A_40 = vector.load %arg9[%get3A_38, %get3A_39] : memref<512x2048xf32, #tpu.memory_space<vmem>>, vector<512x2048xf32>
      %convert_element_type3A_41 = arith.truncf %mul3A_37 : vector<512x512xf32> to vector<512x512xbf16>
      %get3A_42 = arith.constant 0 : index
      %get3A_43 = arith.constant 0 : index
      %get3A_44 = arith.constant 0 : index
      %get3A_45 = vector.load %arg8[%get3A_42, %get3A_43, %get3A_44] : memref<1x512x2048xf32, #tpu.memory_space<vmem>>, vector<1x512x2048xf32>
      %get3A_46 = vector.shape_cast %get3A_45 : vector<1x512x2048xf32> to vector<512x2048xf32>
      %convert_element_type3A_47 = arith.truncf %get3A_46 : vector<512x2048xf32> to vector<512x2048xbf16>
      %dot_general3A_48 = arith.constant dense<0.000000e+00> : vector<512x2048xf32>
      %dot_general3A_49 = tpu.matmul %convert_element_type3A_41, %convert_element_type3A_47, %dot_general3A_48 {dimension_numbers = #tpu.dot_dimension_numbers<[1], [0], [0], [1], [0, 0, 1, 1], [], []>, transpose_lhs_hint = false} : vector<512x512xbf16>, vector<512x2048xbf16>, vector<512x2048xf32> -> vector<512x2048xf32>
      %add3A = arith.addf %get3A_40, %dot_general3A_49 : vector<512x2048xf32>
      %swap3A = arith.constant 0 : index
      %swap3A_50 = arith.constant 0 : index
      %swap3A_51 = vector.load %arg9[%swap3A, %swap3A_50] : memref<512x2048xf32, #tpu.memory_space<vmem>>, vector<512x2048xf32>
      tpu.vector_store %arg9[%swap3A, %swap3A_50], %add3A {strides = array<i32>} : memref<512x2048xf32, #tpu.memory_space<vmem>>, vector<512x2048xf32>,
    } else {
    }
    return
  }
  func.func @transform_0(%arg0: i32, %arg1: i32, %arg2: memref<8xi32, #tpu.memory_space<smem>>, %arg3: memref<1xi32, #tpu.memory_space<smem>>) -> (i32, i32) {
    %get3A = arith.constant 0 : index
    %get3A_0 = memref.load %arg3[%get3A] : memref<1xi32, #tpu.memory_space<smem>>
    %sub3A = arith.constant 1 : i32
    %sub3A_1 = arith.subi %get3A_0, %sub3A : i32
    %min3A = arith.minsi %arg0, %sub3A_1 : i32
    %c0_i32 = arith.constant 0 : i32
    %c0_i32_2 = arith.constant 0 : i32
    return %min3A, %c0_i32 : i32, i32
  }
  func.func @transform_1(%arg0: i32, %arg1: i32, %arg2: memref<8xi32, #tpu.memory_space<smem>>, %arg3: memref<1xi32, #tpu.memory_space<smem>>) -> (i32, i32) {
    %get3A = arith.constant 0 : index
    %get3A_0 = memref.load %arg3[%get3A] : memref<1xi32, #tpu.memory_space<smem>>
    %sub3A = arith.constant 1 : i32
    %sub3A_1 = arith.subi %get3A_0, %sub3A : i32
    %min3A = arith.minsi %arg0, %sub3A_1 : i32
    %c0_i32 = arith.constant 0 : i32
    %c0_i32_2 = arith.constant 0 : i32
    return %min3A, %c0_i32 : i32, i32
  }
  func.func @transform_2(%arg0: i32, %arg1: i32, %arg2: memref<8xi32, #tpu.memory_space<smem>>, %arg3: memref<1xi32, #tpu.memory_space<smem>>) -> (i32, i32, i32) {
    %get3A = arith.constant 0 : index
    %get3A_0 = memref.load %arg3[%get3A] : memref<1xi32, #tpu.memory_space<smem>>
    %sub3A = arith.constant 1 : i32
    %sub3A_1 = arith.subi %get3A_0, %sub3A : i32
    %min3A = arith.minsi %arg0, %sub3A_1 : i32
    %get3A_2 = arith.index_cast %min3A : i32 to index
    %get3A_3 = memref.load %arg2[%get3A_2] : memref<8xi32, #tpu.memory_space<smem>>
    %get3A_4 = arith.constant 0 : index
    %get3A_5 = memref.load %arg3[%get3A_4] : memref<1xi32, #tpu.memory_space<smem>>
    %lt3A = arith.cmpi slt, %arg0, %get3A_5 : i32
    %jit3A = arith.constant 0 : i32
    %select_n3A = arith.select %lt3A, %arg1, %jit3A : i32
    %c0_i32 = arith.constant 0 : i32
    %c0_i32_6 = arith.constant 0 : i32
    return %get3A_3, %c0_i32, %select_n3A : i32, i32, i32
  }
  func.func @transform_3(%arg0: i32, %arg1: i32, %arg2: memref<8xi32, #tpu.memory_space<smem>>, %arg3: memref<1xi32, #tpu.memory_space<smem>>) -> (i32, i32, i32) {
    %get3A = arith.constant 0 : index
    %get3A_0 = memref.load %arg3[%get3A] : memref<1xi32, #tpu.memory_space<smem>>
    %sub3A = arith.constant 1 : i32
    %sub3A_1 = arith.subi %get3A_0, %sub3A : i32
    %min3A = arith.minsi %arg0, %sub3A_1 : i32
    %get3A_2 = arith.index_cast %min3A : i32 to index
    %get3A_3 = memref.load %arg2[%get3A_2] : memref<8xi32, #tpu.memory_space<smem>>
    %get3A_4 = arith.constant 0 : index
    %get3A_5 = memref.load %arg3[%get3A_4] : memref<1xi32, #tpu.memory_space<smem>>
    %lt3A = arith.cmpi slt, %arg0, %get3A_5 : i32
    %jit3A = arith.constant 0 : i32
    %select_n3A = arith.select %lt3A, %arg1, %jit3A : i32
    %add3A = arith.constant 4 : i32
    %add3A_6 = arith.addi %select_n3A, %add3A : i32
    %c0_i32 = arith.constant 0 : i32
    %c0_i32_7 = arith.constant 0 : i32
    return %get3A_3, %c0_i32, %add3A_6 : i32, i32, i32
  }
  func.func @transform_4(%arg0: i32, %arg1: i32, %arg2: memref<8xi32, #tpu.memory_space<smem>>, %arg3: memref<1xi32, #tpu.memory_space<smem>>) -> (i32, i32, i32) {
    %get3A = arith.constant 0 : index
    %get3A_0 = memref.load %arg3[%get3A] : memref<1xi32, #tpu.memory_space<smem>>
    %sub3A = arith.constant 1 : i32
    %sub3A_1 = arith.subi %get3A_0, %sub3A : i32
    %min3A = arith.minsi %arg0, %sub3A_1 : i32
    %get3A_2 = arith.index_cast %min3A : i32 to index
    %get3A_3 = memref.load %arg2[%get3A_2] : memref<8xi32, #tpu.memory_space<smem>>
    %get3A_4 = arith.constant 0 : index
    %get3A_5 = memref.load %arg3[%get3A_4] : memref<1xi32, #tpu.memory_space<smem>>
    %lt3A = arith.cmpi slt, %arg0, %get3A_5 : i32
    %jit3A = arith.constant 0 : i32
    %select_n3A = arith.select %lt3A, %arg1, %jit3A : i32
    %c0_i32 = arith.constant 0 : i32
    %c0_i32_6 = arith.constant 0 : i32
    return %get3A_3, %select_n3A, %c0_i32 : i32, i32, i32
  }
  func.func @transform_5(%arg0: i32, %arg1: i32, %arg2: memref<8xi32, #tpu.memory_space<smem>>, %arg3: memref<1xi32, #tpu.memory_space<smem>>) -> (i32, i32) {
    %get3A = arith.constant 0 : index
    %get3A_0 = memref.load %arg3[%get3A] : memref<1xi32, #tpu.memory_space<smem>>
    %sub3A = arith.constant 1 : i32
    %sub3A_1 = arith.subi %get3A_0, %sub3A : i32
    %min3A = arith.minsi %arg0, %sub3A_1 : i32
    %c0_i32 = arith.constant 0 : i32
    %c0_i32_2 = arith.constant 0 : i32
    return %min3A, %c0_i32 : i32, i32
  }
}

module attributes {stable_mosaic.version = 14 : i64} {
  func.func @moe_final_add(%arg0: i32, %arg1: memref<256x2048xf32, #tpu.memory_space<vmem>>, %arg2: memref<256x2048xf32, #tpu.memory_space<vmem>>, %arg3: memref<256x2048xf32, #tpu.memory_space<vmem>>) attributes {dimension_semantics = [#tpu.dimension_semantics<arbitrary>], iteration_bounds = array<i64: 8>, scalar_prefetch = 0 : i64, scratch_operands = 0 : i64, tpu.core_type = #tpu.core_type<tc>, window_params = [{transform_indices = @transform_0, window_bounds = array<i64: 256, 2048>}, {transform_indices = @transform_1, window_bounds = array<i64: 256, 2048>}, {transform_indices = @transform_2, window_bounds = array<i64: 256, 2048>}]} {
    %get3A = arith.constant 0 : index
    %get3A_0 = arith.constant 0 : index
    %get3A_1 = vector.load %arg1[%get3A, %get3A_0] : memref<256x2048xf32, #tpu.memory_space<vmem>>, vector<256x2048xf32>
    %get3A_2 = arith.constant 0 : index
    %get3A_3 = arith.constant 0 : index
    %get3A_4 = vector.load %arg2[%get3A_2, %get3A_3] : memref<256x2048xf32, #tpu.memory_space<vmem>>, vector<256x2048xf32>
    %add3A = arith.addf %get3A_1, %get3A_4 : vector<256x2048xf32>
    %swap3A = arith.constant 0 : index
    %swap3A_5 = arith.constant 0 : index
    %swap3A_6 = vector.load %arg3[%swap3A, %swap3A_5] : memref<256x2048xf32, #tpu.memory_space<vmem>>, vector<256x2048xf32>
    tpu.vector_store %arg3[%swap3A, %swap3A_5], %add3A {strides = array<i32>} : memref<256x2048xf32, #tpu.memory_space<vmem>>, vector<256x2048xf32>,
    return
  }
  func.func @transform_0(%arg0: i32) -> (i32, i32) {
    %c0_i32 = arith.constant 0 : i32
    %c0_i32_0 = arith.constant 0 : i32
    return %arg0, %c0_i32 : i32, i32
  }
  func.func @transform_1(%arg0: i32) -> (i32, i32) {
    %c0_i32 = arith.constant 0 : i32
    %c0_i32_0 = arith.constant 0 : i32
    return %arg0, %c0_i32 : i32, i32
  }
  func.func @transform_2(%arg0: i32) -> (i32, i32) {
    %c0_i32 = arith.constant 0 : i32
    %c0_i32_0 = arith.constant 0 : i32
    return %arg0, %c0_i32 : i32, i32
  }
}

</mosaic_0001>

<sc_bundles>
// kernel: moe_sc_scatter_rows.4.cloned.1.call-start
scs
__scs_entry_jumppad:
0x0: {  	(pc) =	sbr.rel $0x88, $3  }
0x1: {  	(tag) =	ssettag $0x0;
	lr =	simm.s32 $0x1  }
0x2: {  	[smem:$0x3F9B] =	sst lr;
	_ =	strace $0xD0000000  }
0x3: {  	_ = 	snop  }
0x4: {  	_ = 	snop  }
0x5: {  	_ = 	snop  }
0x6: {  	_ = 	snop  }
0x7: {  	_ = 	snop  }
__scs_overlays_trampoline_lowered:
0x8: {  	[smem:$0x3FAA] =	sst s0  }
0x9: {  	[smem:$0x3FAB] =	sst s1  }
0xa: {  	[smem:$0x3FAC] =	sst s2  }
0xb: {  	[smem:$0x3FAD] =	sst s3  }
0xc: {  	[smem:$0x3FAE] =	sst s4  }
0xd: {  	[smem:$0x3FAF] =	sst s5  }
0xe: {  	[smem:$0x3FB0] =	sst s6  }
0xf: {  	[smem:$0x3FB1] =	sst s7  }
0x10: {  	[smem:$0x3FB2] =	sst s8  }
0x11: {  	[smem:$0x3FB3] =	sst s9;
	s0 =	simm.s32 @!p0 $0x0  }
0x12: {  	s1 =	sld [smem:$0x3F99];
	s0 =	simm.s32 @p0 $0x1  }
0x13: {  	[smem:$0x3FB4] =	sst s0;
	s0 =	simm.s32 @!p1 $0x0  }
0x14: {  	s2 =	sld [smem:$0x3F98];
	s0 =	simm.s32 @p1 $0x1  }
0x15: {  	[smem:$0x3FB5] =	sst s0;
	s0 =	simm.s32 @!p2 $0x0  }
0x16: {  	s3 =	sld [smem:$0x3FDB];
	s0 =	simm.s32 @p2 $0x1  }
0x17: {  	s4 =	simm.s32 $0x1BF5;
	[smem:$0x3FB7] =	sst s0  }
0x18: {  	s0 =	sld [smem:$0x3F9A];
	_ =	swait.ge [sflag:s4], $0x0  }
0x19: {  	s7 =	sld [smem:$0x3F9B]  }
0x1a: {  	s8 =	sadd.s32 $0xFFFFE003, lr  }
0x1b: {  	s9 =	sadd.s32 $0xFFFFFEF7, lr;
	s5 =	simm.s32 $0xFFFFFFFF;
	p2 =	slt.u32 s8, $0xFFFFF086  }
0x1c: {  	p1 =	slt.u32 s9, $0xF7A;
	s5 =	simm.s32 @!p2 $0x0  }
0x1d: {  	s5 =	simm.s32 @p1 $0x1;
	p0 =	seq.s32 s7, s2  }
0x1e: {  	s7 =	smul.u32 @!p0 $0xF7A, s2;
	p2 =	seq.s32 @!p0 s5, $0x0  }
0x1f: {  	s9 =	smul.u32 $0xF7A, s1;
	s8 =	simm.s32 @!p0 $0x1BF5;
	p2 =	por !p2, p0  }
0x20: {  	[sflag:s8] =	ssyncset.s32 @!p0 $0xFFFFF086;
	s6 =	sadd.s32 @!p0 s3, s7;
	s7 =	simm.s32 @!p0 $0x108  }
0x21: {  	s3 =	sadd.s32 s3, s9;
	s6 =	sadd.s32 @!p0 $0x88, s6;
	s7 =	simm.s32 @p2 $0x1082  }
0x22: {  	[simem:s7], [sflag:s8] =	dma.local @!p0 [hbm:s6], $0xF7A  }
0x23: {  	s9 =	sor.u32 $0xD0000000, s2;
	s6 =	simm.s32 $0x108;
	_ =	swait.ge @!p0 [sflag:s8], $0x0  }
0x24: {  	s3 =	sadd.s32 $0x88, s3;
	s6 =	simm.s32 @!p1 $0x1082;
	[sflag:s4] =	ssyncset.s32 $0xFFFFF086  }
0x25: {  	[simem:s6], [sflag:s4] =	dma.local [hbm:s3], $0xF7A  }
0x26: {  	[smem:$0x3F9B] =	sst s1;
	(tag) =	ssettag s2;
	_ =	strace s9  }
0x27: {  	s1 =	sld [smem:$0x3FAB]  }
0x28: {  	s2 =	sld [smem:$0x3FAC]  }
0x29: {  	s4 =	sld [smem:$0x3FAE]  }
0x2a: {  	p0 =	seq.s32 s5, $0x0;
	s5 =	sld [smem:$0x3FAF]  }
0x2b: {  	s6 =	sld [smem:$0x3FB0]  }
0x2c: {  	s7 =	sld [smem:$0x3FB1]  }
0x2d: {  	s3 =	simm.s32 $0x108;
	s8 =	sld [smem:$0x3FB2]  }
0x2e: {  	s3 =	simm.s32 @!p0 $0x1082;
	s9 =	sld [smem:$0x3FB3]  }
0x2f: {  	lr =	sadd.s32 s0, s3;
	s0 =	sld [smem:$0x3FAA]  }
0x30: {  	s3 =	sld [smem:$0x3FAD]  }
0x31: {  	[smem:$0x3FB6] =	sst s10  }
0x32: {  	s10 =	sld [smem:$0x3FB4];
	_ =	sdelay $0x3  }
0x33: {  	p0 =	seq.s32 s10, $0x1;
	s10 =	sld [smem:$0x3FB6];
	_ =	sdelay $0x3  }
0x34: {  	[smem:$0x3FB6] =	sst s10  }
0x35: {  	s10 =	sld [smem:$0x3FB5];
	_ =	sdelay $0x3  }
0x36: {  	p1 =	seq.s32 s10, $0x1;
	s10 =	sld [smem:$0x3FB6];
	_ =	sdelay $0x3  }
0x37: {  	[smem:$0x3FB6] =	sst s10  }
0x38: {  	s10 =	sld [smem:$0x3FB7]  }
0x39: {  	_ = 	snop;
	(pc) =	sbr.ind lr, $3  }
0x3a: {  	_ = 	snop  }
0x3b: {  	_ = 	snop  }
0x3c: {  	p2 =	seq.s32 s10, $0x1;
	s10 =	sld [smem:$0x3FB6]  }
0x3d: {  	_ =	shalt  }
0x3e: {  	_ =	shalt  }
0x3f: {  	_ =	shalt  }
0x40: {  	_ =	shalt  }
0x41: {  	_ =	shalt  }
0x42: {  	_ =	shalt  }
0x43: {  	_ =	shalt  }
0x44: {  	_ =	shalt  }
0x45: {  	_ =	shalt  }
0x46: {  	_ =	shalt  }
0x47: {  	_ =	shalt  }
0x48: {  	_ =	shalt  }
0x49: {  	_ =	shalt  }
0x4a: {  	_ =	shalt  }
0x4b: {  	_ =	shalt  }
0x4c: {  	_ =	shalt  }
0x4d: {  	_ =	shalt  }
0x4e: {  	_ =	shalt  }
0x4f: {  	_ =	shalt  }
0x50: {  	_ =	shalt  }
0x51: {  	_ =	shalt  }
0x52: {  	_ =	shalt  }
0x53: {  	_ =	shalt  }
0x54: {  	_ =	shalt  }
0x55: {  	_ =	shalt  }
0x56: {  	_ =	shalt  }
0x57: {  	_ =	shalt  }
0x58: {  	_ =	shalt  }
0x59: {  	_ =	shalt  }
0x5a: {  	_ =	shalt  }
0x5b: {  	_ =	shalt  }
0x5c: {  	_ =	shalt  }
0x5d: {  	_ =	shalt  }
0x5e: {  	_ =	shalt  }
0x5f: {  	_ =	shalt  }
0x60: {  	_ =	shalt  }
0x61: {  	_ =	shalt  }
0x62: {  	_ =	shalt  }
0x63: {  	_ =	shalt  }
0x64: {  	_ =	shalt  }
0x65: {  	_ =	shalt  }
0x66: {  	_ =	shalt  }
0x67: {  	_ =	shalt  }
0x68: {  	_ =	shalt  }
0x69: {  	_ =	shalt  }
0x6a: {  	_ =	shalt  }
0x6b: {  	_ =	shalt  }
0x6c: {  	_ =	shalt  }
0x6d: {  	_ =	shalt  }
0x6e: {  	_ =	shalt  }
0x6f: {  	_ =	shalt  }
0x70: {  	_ =	shalt  }
0x71: {  	_ =	shalt  }
0x72: {  	_ =	shalt  }
0x73: {  	_ =	shalt  }
0x74: {  	_ =	shalt  }
0x75: {  	_ =	shalt  }
0x76: {  	_ =	shalt  }
0x77: {  	_ =	shalt  }
0x78: {  	_ =	shalt  }
0x79: {  	_ =	shalt  }
0x7a: {  	_ =	shalt  }
0x7b: {  	_ =	shalt  }
0x7c: {  	_ =	shalt  }
0x7d: {  	_ =	shalt  }
0x7e: {  	_ =	shalt  }
0x7f: {  	_ =	shalt  }
0x80: {  	_ =	shalt  }
0x81: {  	_ =	shalt  }
0x82: {  	_ =	shalt  }
0x83: {  	_ =	shalt  }
0x84: {  	_ =	shalt  }
0x85: {  	_ =	shalt  }
0x86: {  	_ =	shalt  }
0x87: {  	_ =	shalt  }
.Lfunc_end0:
.L_simem_size_0:
called_computation_lowered:
.L_overlay_start_0:
0x88: {  	s2 =	sld [smem:$0x3FD9]  }
0x89: {  	s3 =	sld [smem:$0x3FFE];
	_ =	sdelay $0x1  }
0x8a: {  	s1 =	srdreg.scid  }
0x8b: {  	s0 =	sand.u32 $0x1, s1  }
0x8c: {  	s17 =	sshll.u32 s0, $0xA;
	s2 =	sadd.s32 s3, s2  }
0x8d: {  	s2 =	sadd.s32 s2, s17  }
0x8e: {  	[smem:$0x3FC2] =	sst s2  }
0x8f: {  	_ = 	snop  }
0x90: {  	s2 =	sld [smem:$0x3FC9];
	(tm) =	ssettm $0x1  }
0x91: {  	s18 =	sld [smem:$0x3FFB];
	_ =	sdelay $0x3  }
0x92: {  	_ =	strace s18  }
0x93: {  	s3 =	sld [smem:$0x3FFC];
	_ =	sdelay $0x3  }
0x94: {  	_ =	strace s3  }
0x95: {  	s3 =	sld [smem:$0x3FFD];
	_ =	sdelay $0x3  }
0x96: {  	_ =	strace s3  }
0x97: {  	_ =	strace $0x8FFFFFFF  }
0x98: {  	s19 =	sld [smem:$0x3FDB];
	_ =	sdelay $0x1  }
0x99: {  	s4 =	simm.s32 $_scs_section_size  }
0x9a: {  	s5 =	simm.s32 $_size__tile_overlayer_lowered;
	s6 =	simm.s32 $_tile_overlayer_lowered  }
0x9b: {  	s22 =	simm.s32 $0x1BFF;
	s21 =	sshll.u32 s6, $0x1;
	s3 =	sadd.s32 s4, s19  }
0x9c: {  	s7 =	simm.s32 $0x0;
	s20 =	sshll.u32 s5, $0x1;
	s5 =	sadd.s32 s21, s3  }
0x9d: {  	[timem:s7], [sflag:s22] =	dma.local [hbm:s5], s20  }
0x9e: {  	_ =	swait.ge [sflag:s22], s20  }
0x9f: {  	s4 =	ssub.s32 $0x0, s20;
	[sflag:s22] =	ssyncset.done $0x0  }
0xa0: {  	[sflag:s22] =	ssyncadd.s32 s4;
	_ =	sdelay $0x1  }
0xa1: {  	s23 =	simm.s32 $0x1B8B  }
0xa2: {  	_ =	swait.ge [sflag:s23], $0x1  }
0xa3: {  	[sflag:s23] =	ssyncset.done $0x0  }
0xa4: {  	s25 =	simm.s32 $0x1B8E;
	s24 =	sld [smem:$0x3FFE];
	[sflag:s23] =	ssyncadd.s32 $0xFFFFFFFF  }
0xa5: {  	s26 =	simm.s32 $execute0_lowered;
	[smem:$0x3FD2] =	sst s25  }
0xa6: {  	s5 =	sshll.u32 s26, $0x1;
	_ =	strace $0x80000046;
	[dreg:$0x1] =	wrdreg $0xFFFFFFFF  }
0xa7: {  	s28 =	simm.s32 $_size_execute0_lowered;
	s3 =	sadd.s32 s3, s5;
	[dreg:$0x0] =	wrdreg $0x0  }
0xa8: {  	s5 =	sshll.u32 s28, $0x1;
	[dreg:$0x2] =	wrdreg s3  }
0xa9: {  	[dreg:$0x3] =	wrdreg s5  }
0xaa: {  	[dreg:$0x4] =	wrdreg $0xC0  }
0xab: {  	_ =	task [dreg:s7], $0x5FFFF  }
0xac: {  	[dreg:$0x1] =	wrdreg $0xFFFFFFFF  }
0xad: {  	[dreg:$0x0] =	wrdreg $0x60  }
0xae: {  	[dreg:$0x2] =	wrdreg s2  }
0xaf: {  	[dreg:$0x3] =	wrdreg s24  }
0xb0: {  	[dreg:$0x4] =	wrdreg $0x9  }
0xb1: {  	_ =	task.clear_ibuf [dreg:s7], $0x5FFFF;
	_ =	strace $0x90000046  }
0xb2: {  	s29 =	simm.s32 $0x9;
	_ =	strace $0x80000048  }
0xb3: {  	_ =	swait.ge [sflag:s29], $0x1  }
0xb4: {  	[sflag:s29] =	ssyncadd.s32 $0xFFFFFFFF  }
0xb5: {  	_ =	strace $0x90000048  }
0xb6: {  	_ =	sfence  }
0xb7: {  	s30 =	sld [smem:$0x0];
	_ =	sdelay $0x2  }
0xb8: {  	s31 =	sshll.u32 s1, $0xD;
	s1 =	sshrl.u32 s1, $0x2  }
0xb9: {  	s3 =	sand.u32 $0x4000, s31;
	s1 =	sadd.s32 s1, s30  }
0xba: {  	s0 =	sor.u32 s3, s0;
	s1 =	sshll.u32 s1, $0x11  }
0xbb: {  	s0 =	sor.u32 s1, s0  }
0xbc: {  	s0 =	sadd.s32 $0x8F2B, s0  }
0xbd: {  	[sflag:s0] =	ssyncadd.remote.s32 $0x1  }
0xbe: {  	_ =	sfence.sel $0xFFFF  }
0xbf: {  	[dreg:$0x0] =	wrdreg $0xFFFFFFFF;
	(pc) =	sbr.abs _section_cstart, $3  }
0xc0: {  	[dreg:$0x1] =	wrdreg $0xFFFFFFFF  }
0xc1: {  	_ =	task.clear_ibuf [dreg:s7], $0x2FFFF;
	_ =	strace $0x9FFFFFFF  }
0xc2: {  	(tm) =	ssettm $0x7FFFFFFF  }
0xc3: {  	_ =	shalt  }
tec
execute0_lowered:
.L_overlay_start_1:
0x0: {  	(tag) =	ssettag $0x1  }
0x1: {  	s0 =	rddreg [dreg:$0x0]  }
0x2: {  	s2 =	rddreg [dreg:$0x1]  }
0x3: {  	s1 =	simm.s32 $0x0;
	s4 =	srdreg.scid;
	s8 =	stileid.u32  }
0x4: {  	s15 =	simm.s32 $0x200;
	s16 =	simm.s32 $0x8200;
	s17 =	simm.s32 $0x3  }
0x5: {  	s13 =	simm.s32 $0x8A00;
	s14 =	simm.s32 $0x9200;
	s20 =	simm.s32 $0xA200  }
0x6: {  	s21 =	simm.s32 $0xAA00;
	s22 =	simm.s32 $0xB200;
	s28 =	simm.s32 $0xDA00  }
0x7: {  	s29 =	simm.s32 $0xE200;
	s30 =	simm.s32 $0xEA00;
	s31 =	simm.s32 $0xF200  }
0x8: {  	[smem:$0x7FF] =	sst s1;
	s3 =	sadd.s32 $0x18000, s2;
	s4 =	sand.u32 $0x1, s4  }
0x9: {  	s6 =	sshll.u32 s8, $0xF;
	s8 =	sshll.u32 s8, $0x7;
	s9 =	sadd.s32 $0x18500, s2  }
0xa: {  	s10 =	sadd.s32 $0x18600, s2;
	s11 =	sadd.s32 $0x18700, s2;
	_ =	strace $0x80000047  }
0xb: {  	s5 =	sshll.u32 s4, $0x6;
	s7 =	sshll.u32 s4, $0xE;
	s4 =	ssub.s32 $0x2, s4  }
0xc: {  	s5 =	sadd.s32 s2, s5;
	s6 =	sor.u32 s7, s6;
	s23 =	sshrl.u32 s4, $0x1  }
0xd: {  	s7 =	sadd.s32 $0x18300, s2;
	s5 =	sadd.s32 s8, s5;
	s12 =	sadd.s32 s0, s6  }
0xe: {  	s0 =	ssub.s32 s4, s23;
	s6 =	sadd.s32 $0x18200, s2;
	[dreg:$0x3] =	wrdreg s5  }
0xf: {  	s8 =	sadd.s32 $0x18400, s2;
	s24 =	sadd.s32 $0x1000, s12;
	[dreg:$0x7] =	wrdreg s12  }
0x10: {  	s4 =	simm.s32 $0x4;
	s25 =	sadd.s32 $0x2000, s12;
	[dreg:$0x4] =	wrdreg s24  }
0x11: {  	v2 =	vlaneseq.u32;
	s23 =	simm.s32 $0xBA00;
	s26 =	sadd.s32 $0x3000, s12;
	[dreg:$0x5] =	wrdreg s25  }
0x12: {  	vm0 =	vmmov $0xffff;
	v1 =	vshrl.u32 v2, $0x3;
	s5 =	sadd.s32 $0x18100, s2;
	s12 =	smax.u32 s0, $0x1;
	[dreg:$0x6] =	wrdreg s26  }
0x13: {  	v0 =	vand.u32 $0x7, v2;
	v2 =	vor.u32 $0x8, v2;
	v1 =	vmul.u32 $0x8, v1;
	s24 =	simm.s32 $0xC200;
	s25 =	simm.s32 $0xCA00;
	s26 =	simm.s32 $0xD200  }
.LBB2_1:
0x14: {  	s18 =	rddreg [dreg:$0x3];
	s0 =	simm.s32 $0x5  }
0x15: {  	[tilespmem:s1], [sflag:$0x5] =	stream.linear.gather [hbm4b:s18+s1], $0x200, $0x38;
	[tilespmem:$0x10200] =	vst v63  }
0x16: {  	_ =	swait.ge [sflag:s0], $0x200  }
0x17: {  	[sflag:s0] =	ssyncset.done $0x0  }
0x18: {  	s19 =	rddreg [dreg:$0x7];
	[sflag:s0] =	ssyncadd.s32 $0xFFFFFE00  }
0x19: {  	[tilespmem:s15], [sflag:$0x1] =	stream.linear.gather [hbm4b:s19+s1], $0x8000, $0x38;
	[tilespmem:$0x10200] =	vst v63  }
0x1a: {  	s2 =	rddreg [dreg:$0x4]  }
0x1b: {  	[tilespmem:s16], [sflag:$0x2] =	stream.linear.gather [hbm4b:s2+s1], $0x8000, $0x38;
	[tilespmem:$0x10200] =	vst v63  }
0x1c: {  	s2 =	simm.s32 $0x1  }
0x1d: {  	_ =	swait.ge [sflag:s2], $0x8000  }
0x1e: {  	[sflag:s2] =	ssyncset.done $0x0  }
0x1f: {  	[sflag:s2] =	ssyncadd.s32 $0xFFFF8000  }
0x20: {  	v3 =	vld [tilespmem:$0x0];
	_ =	sdelay $0x4  }
0x21: {  	v4 =	vshll.u32 v3, $0x4  }
0x22: {  	v3 =	vand.u32 $0x7, v3;
	v4 =	vand.u32 $0xFFFFFF80, v4  }
0x23: {  	v3 =	vor.u32 v3, v4  }
0x24: {  	v4 =	vperm.xlane v3, v0;
	_ =	sdelay $0x1  }
0x25: {  	v4 =	vadd.s32 v1, v4;
	_ =	sdelay $0x4  }
0x26: {  	[hbm4b:s3+s1] =	stream.indirect_vreg.scatter [tilespmem:s15], [sflag:$0x3], $0x80, v4, vm0, $0xb8;
	[tilespmem:$0x10200] =	vst v63  }
0x27: {  	s19 =	simm.s32 $0xA00  }
0x28: {  	[hbm4b:s5+s1] =	stream.indirect_vreg.scatter [tilespmem:s19], [sflag:$0x3], $0x80, v4, vm0, $0xb8;
	[tilespmem:$0x10200] =	vst v63  }
0x29: {  	s18 =	simm.s32 $0x1200  }
0x2a: {  	[hbm4b:s6+s1] =	stream.indirect_vreg.scatter [tilespmem:s18], [sflag:$0x3], $0x80, v4, vm0, $0xb8;
	[tilespmem:$0x10200] =	vst v63  }
0x2b: {  	s19 =	simm.s32 $0x1A00  }
0x2c: {  	[hbm4b:s7+s1] =	stream.indirect_vreg.scatter [tilespmem:s19], [sflag:$0x3], $0x80, v4, vm0, $0xb8;
	[tilespmem:$0x10200] =	vst v63  }
0x2d: {  	s18 =	simm.s32 $0x2200  }
0x2e: {  	[hbm4b:s8+s1] =	stream.indirect_vreg.scatter [tilespmem:s18], [sflag:$0x3], $0x80, v4, vm0, $0xb8;
	[tilespmem:$0x10200] =	vst v63  }
0x2f: {  	v3 =	vperm.xlane v3, v2;
	s19 =	simm.s32 $0x2A00  }
0x30: {  	[hbm4b:s9+s1] =	stream.indirect_vreg.scatter [tilespmem:s19], [sflag:$0x3], $0x80, v4, vm0, $0xb8;
	[tilespmem:$0x10200] =	vst v63  }
0x31: {  	v3 =	vadd.s32 v1, v3;
	s18 =	simm.s32 $0x3200  }
0x32: {  	[hbm4b:s10+s1] =	stream.indirect_vreg.scatter [tilespmem:s18], [sflag:$0x3], $0x80, v4, vm0, $0xb8;
	[tilespmem:$0x10200] =	vst v63  }
0x33: {  	s19 =	simm.s32 $0x3A00  }
0x34: {  	[hbm4b:s11+s1] =	stream.indirect_vreg.scatter [tilespmem:s19], [sflag:$0x3], $0x80, v4, vm0, $0xb8;
	[tilespmem:$0x10200] =	vst v63  }
0x35: {  	s18 =	simm.s32 $0x4200  }
0x36: {  	[hbm4b:s3+s1] =	stream.indirect_vreg.scatter [tilespmem:s18], [sflag:$0x3], $0x80, v3, vm0, $0xb8;
	[tilespmem:$0x10200] =	vst v63  }
0x37: {  	s19 =	simm.s32 $0x4A00  }
0x38: {  	[hbm4b:s5+s1] =	stream.indirect_vreg.scatter [tilespmem:s19], [sflag:$0x3], $0x80, v3, vm0, $0xb8;
	[tilespmem:$0x10200] =	vst v63  }
0x39: {  	s18 =	simm.s32 $0x5200  }
0x3a: {  	[hbm4b:s6+s1] =	stream.indirect_vreg.scatter [tilespmem:s18], [sflag:$0x3], $0x80, v3, vm0, $0xb8;
	[tilespmem:$0x10200] =	vst v63  }
0x3b: {  	s19 =	simm.s32 $0x5A00  }
0x3c: {  	[hbm4b:s7+s1] =	stream.indirect_vreg.scatter [tilespmem:s19], [sflag:$0x3], $0x80, v3, vm0, $0xb8;
	[tilespmem:$0x10200] =	vst v63  }
0x3d: {  	s18 =	simm.s32 $0x6200  }
0x3e: {  	[hbm4b:s8+s1] =	stream.indirect_vreg.scatter [tilespmem:s18], [sflag:$0x3], $0x80, v3, vm0, $0xb8;
	[tilespmem:$0x10200] =	vst v63  }
0x3f: {  	s19 =	simm.s32 $0x6A00  }
0x40: {  	[hbm4b:s9+s1] =	stream.indirect_vreg.scatter [tilespmem:s19], [sflag:$0x3], $0x80, v3, vm0, $0xb8;
	[tilespmem:$0x10200] =	vst v63  }
0x41: {  	s18 =	simm.s32 $0x7200  }
0x42: {  	[hbm4b:s10+s1] =	stream.indirect_vreg.scatter [tilespmem:s18], [sflag:$0x3], $0x80, v3, vm0, $0xb8;
	[tilespmem:$0x10200] =	vst v63  }
0x43: {  	s19 =	simm.s32 $0x7A00  }
0x44: {  	[hbm4b:s11+s1] =	stream.indirect_vreg.scatter [tilespmem:s19], [sflag:$0x3], $0x80, v3, vm0, $0xb8;
	[tilespmem:$0x10200] =	vst v63  }
0x45: {  	_ =	swait.ge [sflag:s17], $0x8000  }
0x46: {  	[sflag:s17] =	ssyncset.done $0x0  }
0x47: {  	s0 =	rddreg [dreg:$0x5];
	[sflag:s17] =	ssyncadd.s32 $0xFFFF8000  }
0x48: {  	[tilespmem:s15], [sflag:$0x1] =	stream.linear.gather [hbm4b:s0+s1], $0x8000, $0x38;
	[tilespmem:$0x10200] =	vst v63  }
0x49: {  	s0 =	simm.s32 $0x2  }
0x4a: {  	_ =	swait.ge [sflag:s0], $0x8000  }
0x4b: {  	[sflag:s0] =	ssyncset.done $0x0  }
0x4c: {  	[sflag:s0] =	ssyncadd.s32 $0xFFFF8000  }
0x4d: {  	v3 =	vld [tilespmem:$0x80];
	_ =	sdelay $0x4  }
0x4e: {  	v61 =	vshll.u32 v3, $0x4  }
0x4f: {  	v3 =	vand.u32 $0x7, v3;
	v4 =	vand.u32 $0xFFFFFF80, v61  }
0x50: {  	v3 =	vor.u32 v3, v4  }
0x51: {  	v4 =	vperm.xlane v3, v0;
	_ =	sdelay $0x1  }
0x52: {  	v4 =	vadd.s32 v1, v4;
	_ =	sdelay $0x4  }
0x53: {  	[hbm4b:s3+s1] =	stream.indirect_vreg.scatter [tilespmem:s16], [sflag:$0x4], $0x80, v4, vm0, $0xb8;
	[tilespmem:$0x10200] =	vst v63  }
0x54: {  	_ = 	snop  }
0x55: {  	[hbm4b:s5+s1] =	stream.indirect_vreg.scatter [tilespmem:s13], [sflag:$0x4], $0x80, v4, vm0, $0xb8;
	[tilespmem:$0x10200] =	vst v63  }
0x56: {  	_ = 	snop  }
0x57: {  	[hbm4b:s6+s1] =	stream.indirect_vreg.scatter [tilespmem:s14], [sflag:$0x4], $0x80, v4, vm0, $0xb8;
	[tilespmem:$0x10200] =	vst v63  }
0x58: {  	s19 =	simm.s32 $0x9A00  }
0x59: {  	[hbm4b:s7+s1] =	stream.indirect_vreg.scatter [tilespmem:s19], [sflag:$0x4], $0x80, v4, vm0, $0xb8;
	[tilespmem:$0x10200] =	vst v63  }
0x5a: {  	_ = 	snop  }
0x5b: {  	[hbm4b:s8+s1] =	stream.indirect_vreg.scatter [tilespmem:s20], [sflag:$0x4], $0x80, v4, vm0, $0xb8;
	[tilespmem:$0x10200] =	vst v63  }
0x5c: {  	v3 =	vperm.xlane v3, v2  }
0x5d: {  	[hbm4b:s9+s1] =	stream.indirect_vreg.scatter [tilespmem:s21], [sflag:$0x4], $0x80, v4, vm0, $0xb8;
	[tilespmem:$0x10200] =	vst v63  }
0x5e: {  	v3 =	vadd.s32 v1, v3  }
0x5f: {  	[hbm4b:s10+s1] =	stream.indirect_vreg.scatter [tilespmem:s22], [sflag:$0x4], $0x80, v4, vm0, $0xb8;
	[tilespmem:$0x10200] =	vst v63  }
0x60: {  	_ = 	snop  }
0x61: {  	[hbm4b:s11+s1] =	stream.indirect_vreg.scatter [tilespmem:s23], [sflag:$0x4], $0x80, v4, vm0, $0xb8;
	[tilespmem:$0x10200] =	vst v63  }
0x62: {  	_ = 	snop  }
0x63: {  	[hbm4b:s3+s1] =	stream.indirect_vreg.scatter [tilespmem:s24], [sflag:$0x4], $0x80, v3, vm0, $0xb8;
	[tilespmem:$0x10200] =	vst v63  }
0x64: {  	_ = 	snop  }
0x65: {  	[hbm4b:s5+s1] =	stream.indirect_vreg.scatter [tilespmem:s25], [sflag:$0x4], $0x80, v3, vm0, $0xb8;
	[tilespmem:$0x10200] =	vst v63  }
0x66: {  	_ = 	snop  }
0x67: {  	[hbm4b:s6+s1] =	stream.indirect_vreg.scatter [tilespmem:s26], [sflag:$0x4], $0x80, v3, vm0, $0xb8;
	[tilespmem:$0x10200] =	vst v63  }
0x68: {  	_ = 	snop  }
0x69: {  	[hbm4b:s7+s1] =	stream.indirect_vreg.scatter [tilespmem:s28], [sflag:$0x4], $0x80, v3, vm0, $0xb8;
	[tilespmem:$0x10200] =	vst v63  }
0x6a: {  	_ = 	snop  }
0x6b: {  	[hbm4b:s8+s1] =	stream.indirect_vreg.scatter [tilespmem:s29], [sflag:$0x4], $0x80, v3, vm0, $0xb8;
	[tilespmem:$0x10200] =	vst v63  }
0x6c: {  	_ = 	snop  }
0x6d: {  	[hbm4b:s9+s1] =	stream.indirect_vreg.scatter [tilespmem:s30], [sflag:$0x4], $0x80, v3, vm0, $0xb8;
	[tilespmem:$0x10200] =	vst v63  }
0x6e: {  	_ = 	snop  }
0x6f: {  	[hbm4b:s10+s1] =	stream.indirect_vreg.scatter [tilespmem:s31], [sflag:$0x4], $0x80, v3, vm0, $0xb8;
	[tilespmem:$0x10200] =	vst v63  }
0x70: {  	s18 =	simm.s32 $0xFA00  }
0x71: {  	[hbm4b:s11+s1] =	stream.indirect_vreg.scatter [tilespmem:s18], [sflag:$0x4], $0x80, v3, vm0, $0xb8;
	[tilespmem:$0x10200] =	vst v63  }
0x72: {  	_ =	swait.ge [sflag:s4], $0x8000  }
0x73: {  	[sflag:s4] =	ssyncset.done $0x0  }
0x74: {  	s18 =	rddreg [dreg:$0x6];
	[sflag:s4] =	ssyncadd.s32 $0xFFFF8000  }
0x75: {  	[tilespmem:s16], [sflag:$0x2] =	stream.linear.gather [hbm4b:s18+s1], $0x8000, $0x38;
	[tilespmem:$0x10200] =	vst v63  }
0x76: {  	_ =	swait.ge [sflag:s2], $0x8000  }
0x77: {  	[sflag:s2] =	ssyncset.done $0x0  }
0x78: {  	[sflag:s2] =	ssyncadd.s32 $0xFFFF8000  }
0x79: {  	v3 =	vld [tilespmem:$0x100];
	_ =	sdelay $0x4  }
0x7a: {  	v62 =	vshll.u32 v3, $0x4  }
0x7b: {  	v3 =	vand.u32 $0x7, v3;
	v4 =	vand.u32 $0xFFFFFF80, v62  }
0x7c: {  	v3 =	vor.u32 v3, v4  }
0x7d: {  	v4 =	vperm.xlane v3, v0;
	_ =	sdelay $0x1  }
0x7e: {  	v4 =	vadd.s32 v1, v4;
	_ =	sdelay $0x4  }
0x7f: {  	[hbm4b:s3+s1] =	stream.indirect_vreg.scatter [tilespmem:s15], [sflag:$0x3], $0x80, v4, vm0, $0xb8;
	[tilespmem:$0x10200] =	vst v63  }
0x80: {  	s18 =	simm.s32 $0xA00  }
0x81: {  	[hbm4b:s5+s1] =	stream.indirect_vreg.scatter [tilespmem:s18], [sflag:$0x3], $0x80, v4, vm0, $0xb8;
	[tilespmem:$0x10200] =	vst v63  }
0x82: {  	s18 =	simm.s32 $0x1200  }
0x83: {  	[hbm4b:s6+s1] =	stream.indirect_vreg.scatter [tilespmem:s18], [sflag:$0x3], $0x80, v4, vm0, $0xb8;
	[tilespmem:$0x10200] =	vst v63  }
0x84: {  	s18 =	simm.s32 $0x1A00  }
0x85: {  	[hbm4b:s7+s1] =	stream.indirect_vreg.scatter [tilespmem:s18], [sflag:$0x3], $0x80, v4, vm0, $0xb8;
	[tilespmem:$0x10200] =	vst v63  }
0x86: {  	s18 =	simm.s32 $0x2200  }
0x87: {  	[hbm4b:s8+s1] =	stream.indirect_vreg.scatter [tilespmem:s18], [sflag:$0x3], $0x80, v4, vm0, $0xb8;
	[tilespmem:$0x10200] =	vst v63  }
0x88: {  	v3 =	vperm.xlane v3, v2;
	s18 =	simm.s32 $0x2A00  }
0x89: {  	[hbm4b:s9+s1] =	stream.indirect_vreg.scatter [tilespmem:s18], [sflag:$0x3], $0x80, v4, vm0, $0xb8;
	[tilespmem:$0x10200] =	vst v63  }
0x8a: {  	v3 =	vadd.s32 v1, v3;
	s18 =	simm.s32 $0x3200  }
0x8b: {  	[hbm4b:s10+s1] =	stream.indirect_vreg.scatter [tilespmem:s18], [sflag:$0x3], $0x80, v4, vm0, $0xb8;
	[tilespmem:$0x10200] =	vst v63  }
0x8c: {  	s18 =	simm.s32 $0x3A00  }
0x8d: {  	[hbm4b:s11+s1] =	stream.indirect_vreg.scatter [tilespmem:s18], [sflag:$0x3], $0x80, v4, vm0, $0xb8;
	[tilespmem:$0x10200] =	vst v63  }
0x8e: {  	s18 =	simm.s32 $0x4200  }
0x8f: {  	[hbm4b:s3+s1] =	stream.indirect_vreg.scatter [tilespmem:s18], [sflag:$0x3], $0x80, v3, vm0, $0xb8;
	[tilespmem:$0x10200] =	vst v63  }
0x90: {  	s18 =	simm.s32 $0x4A00  }
0x91: {  	[hbm4b:s5+s1] =	stream.indirect_vreg.scatter [tilespmem:s18], [sflag:$0x3], $0x80, v3, vm0, $0xb8;
	[tilespmem:$0x10200] =	vst v63  }
0x92: {  	s18 =	simm.s32 $0x5200  }
0x93: {  	[hbm4b:s6+s1] =	stream.indirect_vreg.scatter [tilespmem:s18], [sflag:$0x3], $0x80, v3, vm0, $0xb8;
	[tilespmem:$0x10200] =	vst v63  }
0x94: {  	s18 =	simm.s32 $0x5A00  }
0x95: {  	[hbm4b:s7+s1] =	stream.indirect_vreg.scatter [tilespmem:s18], [sflag:$0x3], $0x80, v3, vm0, $0xb8;
	[tilespmem:$0x10200] =	vst v63  }
0x96: {  	s18 =	simm.s32 $0x6200  }
0x97: {  	[hbm4b:s8+s1] =	stream.indirect_vreg.scatter [tilespmem:s18], [sflag:$0x3], $0x80, v3, vm0, $0xb8;
	[tilespmem:$0x10200] =	vst v63  }
0x98: {  	s18 =	simm.s32 $0x6A00  }
0x99: {  	[hbm4b:s9+s1] =	stream.indirect_vreg.scatter [tilespmem:s18], [sflag:$0x3], $0x80, v3, vm0, $0xb8;
	[tilespmem:$0x10200] =	vst v63  }
0x9a: {  	s18 =	simm.s32 $0x7200  }
0x9b: {  	[hbm4b:s10+s1] =	stream.indirect_vreg.scatter [tilespmem:s18], [sflag:$0x3], $0x80, v3, vm0, $0xb8;
	[tilespmem:$0x10200] =	vst v63  }
0x9c: {  	s18 =	simm.s32 $0x7A00  }
0x9d: {  	[hbm4b:s11+s1] =	stream.indirect_vreg.scatter [tilespmem:s18], [sflag:$0x3], $0x80, v3, vm0, $0xb8;
	[tilespmem:$0x10200] =	vst v63  }
0x9e: {  	_ =	swait.ge [sflag:s0], $0x8000  }
0x9f: {  	[sflag:s0] =	ssyncset.done $0x0  }
0xa0: {  	[sflag:s0] =	ssyncadd.s32 $0xFFFF8000  }
0xa1: {  	v3 =	vld [tilespmem:$0x180];
	_ =	sdelay $0x4  }
0xa2: {  	v63 =	vshll.u32 v3, $0x4  }
0xa3: {  	v3 =	vand.u32 $0x7, v3;
	v4 =	vand.u32 $0xFFFFFF80, v63  }
0xa4: {  	v3 =	vor.u32 v3, v4  }
0xa5: {  	v4 =	vperm.xlane v3, v0;
	_ =	sdelay $0x1  }
0xa6: {  	v4 =	vadd.s32 v1, v4;
	_ =	sdelay $0x4  }
0xa7: {  	[hbm4b:s3+s1] =	stream.indirect_vreg.scatter [tilespmem:s16], [sflag:$0x4], $0x80, v4, vm0, $0xb8;
	[tilespmem:$0x10200] =	vst v63  }
0xa8: {  	_ = 	snop  }
0xa9: {  	[hbm4b:s5+s1] =	stream.indirect_vreg.scatter [tilespmem:s13], [sflag:$0x4], $0x80, v4, vm0, $0xb8;
	[tilespmem:$0x10200] =	vst v63  }
0xaa: {  	_ = 	snop  }
0xab: {  	[hbm4b:s6+s1] =	stream.indirect_vreg.scatter [tilespmem:s14], [sflag:$0x4], $0x80, v4, vm0, $0xb8;
	[tilespmem:$0x10200] =	vst v63  }
0xac: {  	_ = 	snop  }
0xad: {  	[hbm4b:s7+s1] =	stream.indirect_vreg.scatter [tilespmem:s19], [sflag:$0x4], $0x80, v4, vm0, $0xb8;
	[tilespmem:$0x10200] =	vst v63  }
0xae: {  	_ = 	snop  }
0xaf: {  	[hbm4b:s8+s1] =	stream.indirect_vreg.scatter [tilespmem:s20], [sflag:$0x4], $0x80, v4, vm0, $0xb8;
	[tilespmem:$0x10200] =	vst v63  }
0xb0: {  	v3 =	vperm.xlane v3, v2  }
0xb1: {  	[hbm4b:s9+s1] =	stream.indirect_vreg.scatter [tilespmem:s21], [sflag:$0x4], $0x80, v4, vm0, $0xb8;
	[tilespmem:$0x10200] =	vst v63  }
0xb2: {  	v3 =	vadd.s32 v1, v3  }
0xb3: {  	[hbm4b:s10+s1] =	stream.indirect_vreg.scatter [tilespmem:s22], [sflag:$0x4], $0x80, v4, vm0, $0xb8;
	[tilespmem:$0x10200] =	vst v63  }
0xb4: {  	_ = 	snop  }
0xb5: {  	[hbm4b:s11+s1] =	stream.indirect_vreg.scatter [tilespmem:s23], [sflag:$0x4], $0x80, v4, vm0, $0xb8;
	[tilespmem:$0x10200] =	vst v63  }
0xb6: {  	_ = 	snop  }
0xb7: {  	[hbm4b:s3+s1] =	stream.indirect_vreg.scatter [tilespmem:s24], [sflag:$0x4], $0x80, v3, vm0, $0xb8;
	[tilespmem:$0x10200] =	vst v63  }
0xb8: {  	_ = 	snop  }
0xb9: {  	[hbm4b:s5+s1] =	stream.indirect_vreg.scatter [tilespmem:s25], [sflag:$0x4], $0x80, v3, vm0, $0xb8;
	[tilespmem:$0x10200] =	vst v63  }
0xba: {  	_ = 	snop  }
0xbb: {  	[hbm4b:s6+s1] =	stream.indirect_vreg.scatter [tilespmem:s26], [sflag:$0x4], $0x80, v3, vm0, $0xb8;
	[tilespmem:$0x10200] =	vst v63  }
0xbc: {  	_ = 	snop  }
0xbd: {  	[hbm4b:s7+s1] =	stream.indirect_vreg.scatter [tilespmem:s28], [sflag:$0x4], $0x80, v3, vm0, $0xb8;
	[tilespmem:$0x10200] =	vst v63  }
0xbe: {  	_ = 	snop  }
0xbf: {  	[hbm4b:s8+s1] =	stream.indirect_vreg.scatter [tilespmem:s29], [sflag:$0x4], $0x80, v3, vm0, $0xb8;
	[tilespmem:$0x10200] =	vst v63  }
0xc0: {  	_ = 	snop  }
0xc1: {  	[hbm4b:s9+s1] =	stream.indirect_vreg.scatter [tilespmem:s30], [sflag:$0x4], $0x80, v3, vm0, $0xb8;
	[tilespmem:$0x10200] =	vst v63  }
0xc2: {  	_ = 	snop  }
0xc3: {  	[hbm4b:s10+s1] =	stream.indirect_vreg.scatter [tilespmem:s31], [sflag:$0x4], $0x80, v3, vm0, $0xb8;
	[tilespmem:$0x10200] =	vst v63  }
0xc4: {  	s19 =	simm.s32 $0xFA00  }
0xc5: {  	[hbm4b:s11+s1] =	stream.indirect_vreg.scatter [tilespmem:s19], [sflag:$0x4], $0x80, v3, vm0, $0xb8;
	[tilespmem:$0x10200] =	vst v63  }
0xc6: {  	p0 =	sne.s32 s12, $0x1;
	_ =	swait.ge [sflag:s17], $0x8000  }
.Ltmp0:
0xc7: {  	[sflag:s17] =	ssyncset.done $0x0;
	(pc) =	sbr.rel @p0 .LBB2_1-.Ltmp0, $4  }
0xc8: {  	[sflag:s17] =	ssyncadd.s32 $0xFFFF8000  }
0xc9: {  	_ =	swait.ge [sflag:s4], $0x8000  }
0xca: {  	[sflag:s4] =	ssyncset.done $0x0  }
0xcb: {  	s12 =	sadd.s32 $0xFFFFFFFF, s12;
	[sflag:s4] =	ssyncadd.s32 $0xFFFF8000  }
0xcc: {  	_ =	sfence.sel $0x180000  }
0xcd: {  	[bflag:$0x0] =	sbarrier.arrive $0xFFFF  }
0xce: {  	_ =	strace $0x90000047  }
0xcf: {  	s0 =	stileid.u32;
	[bflag:$0x2] =	sbarrier.arrive $0xFFFF  }
0xd0: {  	p0 =	sne.s32 s0, $0x0;
	s0 =	rddreg [dreg:$0x2]  }
0xd1: {  	s0 =	sadd.s32 @!p0 $0x100000, s0  }
0xd2: {  	[sflag:s0] =	ssyncadd.tile.s32 @!p0 $0x1;
	_ =	shalt  }
.Lfunc_end2:
_tile_overlayer_lowered:
.L_overlay_start_2:
0xd3: {  	(tag) =	ssettag $0x2  }
0xd4: {  	s0 =	rddreg [dreg:$0x0];
	s2 =	stileid.u32  }
0xd5: {  	s1 =	rddreg [dreg:$0x1];
	p0 =	sne.s32 s2, $0x0  }
0xd6: {  	s3 =	rddreg [dreg:$0x2];
	[bflag:$0x3] =	sbarrier.arrive $0xFFFF;
	s2 =	simm.s32 @!p0 $0x1C05  }
0xd7: {  	[timem:s3], [sflag:s2] =	dma.local @!p0 [hbm:s0], s1  }
0xd8: {  	s0 =	simm.s32 @!p0 $0x5  }
0xd9: {  	_ =	swait.ge @!p0 [sflag:s0], s1  }
0xda: {  	s1 =	ssub.s32 @!p0 $0x0, s1;
	[sflag:s0] =	ssyncset.done @!p0 $0x0  }
0xdb: {  	[sflag:s0] =	ssyncadd.s32 @!p0 s1  }
0xdc: {  	[bflag:$0x3] =	sbarrier.arrive $0xFFFF  }
0xdd: {  	_ =	shalt  }

// kernel: moe_sc_scatter_rows.7.cloned.1.call-start
scs
__scs_entry_jumppad:
0x0: {  	(pc) =	sbr.rel $0x88, $3  }
0x1: {  	(tag) =	ssettag $0x0;
	lr =	simm.s32 $0x1  }
0x2: {  	[smem:$0x3F9B] =	sst lr;
	_ =	strace $0xD0000000  }
0x3: {  	_ = 	snop  }
0x4: {  	_ = 	snop  }
0x5: {  	_ = 	snop  }
0x6: {  	_ = 	snop  }
0x7: {  	_ = 	snop  }
__scs_overlays_trampoline_lowered:
0x8: {  	[smem:$0x3FAA] =	sst s0  }
0x9: {  	[smem:$0x3FAB] =	sst s1  }
0xa: {  	[smem:$0x3FAC] =	sst s2  }
0xb: {  	[smem:$0x3FAD] =	sst s3  }
0xc: {  	[smem:$0x3FAE] =	sst s4  }
0xd: {  	[smem:$0x3FAF] =	sst s5  }
0xe: {  	[smem:$0x3FB0] =	sst s6  }
0xf: {  	[smem:$0x3FB1] =	sst s7  }
0x10: {  	[smem:$0x3FB2] =	sst s8  }
0x11: {  	[smem:$0x3FB3] =	sst s9;
	s0 =	simm.s32 @!p0 $0x0  }
0x12: {  	s1 =	sld [smem:$0x3F99];
	s0 =	simm.s32 @p0 $0x1  }
0x13: {  	[smem:$0x3FB4] =	sst s0;
	s0 =	simm.s32 @!p1 $0x0  }
0x14: {  	s2 =	sld [smem:$0x3F98];
	s0 =	simm.s32 @p1 $0x1  }
0x15: {  	[smem:$0x3FB5] =	sst s0;
	s0 =	simm.s32 @!p2 $0x0  }
0x16: {  	s3 =	sld [smem:$0x3FDB];
	s0 =	simm.s32 @p2 $0x1  }
0x17: {  	s4 =	simm.s32 $0x1BF5;
	[smem:$0x3FB7] =	sst s0  }
0x18: {  	s0 =	sld [smem:$0x3F9A];
	_ =	swait.ge [sflag:s4], $0x0  }
0x19: {  	s7 =	sld [smem:$0x3F9B]  }
0x1a: {  	s8 =	sadd.s32 $0xFFFFE003, lr  }
0x1b: {  	s9 =	sadd.s32 $0xFFFFFEF7, lr;
	s5 =	simm.s32 $0xFFFFFFFF;
	p2 =	slt.u32 s8, $0xFFFFF086  }
0x1c: {  	p1 =	slt.u32 s9, $0xF7A;
	s5 =	simm.s32 @!p2 $0x0  }
0x1d: {  	s5 =	simm.s32 @p1 $0x1;
	p0 =	seq.s32 s7, s2  }
0x1e: {  	s7 =	smul.u32 @!p0 $0xF7A, s2;
	p2 =	seq.s32 @!p0 s5, $0x0  }
0x1f: {  	s9 =	smul.u32 $0xF7A, s1;
	s8 =	simm.s32 @!p0 $0x1BF5;
	p2 =	por !p2, p0  }
0x20: {  	[sflag:s8] =	ssyncset.s32 @!p0 $0xFFFFF086;
	s6 =	sadd.s32 @!p0 s3, s7;
	s7 =	simm.s32 @!p0 $0x108  }
0x21: {  	s3 =	sadd.s32 s3, s9;
	s6 =	sadd.s32 @!p0 $0x88, s6;
	s7 =	simm.s32 @p2 $0x1082  }
0x22: {  	[simem:s7], [sflag:s8] =	dma.local @!p0 [hbm:s6], $0xF7A  }
0x23: {  	s9 =	sor.u32 $0xD0000000, s2;
	s6 =	simm.s32 $0x108;
	_ =	swait.ge @!p0 [sflag:s8], $0x0  }
0x24: {  	s3 =	sadd.s32 $0x88, s3;
	s6 =	simm.s32 @!p1 $0x1082;
	[sflag:s4] =	ssyncset.s32 $0xFFFFF086  }
0x25: {  	[simem:s6], [sflag:s4] =	dma.local [hbm:s3], $0xF7A  }
0x26: {  	[smem:$0x3F9B] =	sst s1;
	(tag) =	ssettag s2;
	_ =	strace s9  }
0x27: {  	s1 =	sld [smem:$0x3FAB]  }
0x28: {  	s2 =	sld [smem:$0x3FAC]  }
0x29: {  	s4 =	sld [smem:$0x3FAE]  }
0x2a: {  	p0 =	seq.s32 s5, $0x0;
	s5 =	sld [smem:$0x3FAF]  }
0x2b: {  	s6 =	sld [smem:$0x3FB0]  }
0x2c: {  	s7 =	sld [smem:$0x3FB1]  }
0x2d: {  	s3 =	simm.s32 $0x108;
	s8 =	sld [smem:$0x3FB2]  }
0x2e: {  	s3 =	simm.s32 @!p0 $0x1082;
	s9 =	sld [smem:$0x3FB3]  }
0x2f: {  	lr =	sadd.s32 s0, s3;
	s0 =	sld [smem:$0x3FAA]  }
0x30: {  	s3 =	sld [smem:$0x3FAD]  }
0x31: {  	[smem:$0x3FB6] =	sst s10  }
0x32: {  	s10 =	sld [smem:$0x3FB4];
	_ =	sdelay $0x3  }
0x33: {  	p0 =	seq.s32 s10, $0x1;
	s10 =	sld [smem:$0x3FB6];
	_ =	sdelay $0x3  }
0x34: {  	[smem:$0x3FB6] =	sst s10  }
0x35: {  	s10 =	sld [smem:$0x3FB5];
	_ =	sdelay $0x3  }
0x36: {  	p1 =	seq.s32 s10, $0x1;
	s10 =	sld [smem:$0x3FB6];
	_ =	sdelay $0x3  }
0x37: {  	[smem:$0x3FB6] =	sst s10  }
0x38: {  	s10 =	sld [smem:$0x3FB7]  }
0x39: {  	_ = 	snop;
	(pc) =	sbr.ind lr, $3  }
0x3a: {  	_ = 	snop  }
0x3b: {  	_ = 	snop  }
0x3c: {  	p2 =	seq.s32 s10, $0x1;
	s10 =	sld [smem:$0x3FB6]  }
0x3d: {  	_ =	shalt  }
0x3e: {  	_ =	shalt  }
0x3f: {  	_ =	shalt  }
0x40: {  	_ =	shalt  }
0x41: {  	_ =	shalt  }
0x42: {  	_ =	shalt  }
0x43: {  	_ =	shalt  }
0x44: {  	_ =	shalt  }
0x45: {  	_ =	shalt  }
0x46: {  	_ =	shalt  }
0x47: {  	_ =	shalt  }
0x48: {  	_ =	shalt  }
0x49: {  	_ =	shalt  }
0x4a: {  	_ =	shalt  }
0x4b: {  	_ =	shalt  }
0x4c: {  	_ =	shalt  }
0x4d: {  	_ =	shalt  }
0x4e: {  	_ =	shalt  }
0x4f: {  	_ =	shalt  }
0x50: {  	_ =	shalt  }
0x51: {  	_ =	shalt  }
0x52: {  	_ =	shalt  }
0x53: {  	_ =	shalt  }
0x54: {  	_ =	shalt  }
0x55: {  	_ =	shalt  }
0x56: {  	_ =	shalt  }
0x57: {  	_ =	shalt  }
0x58: {  	_ =	shalt  }
0x59: {  	_ =	shalt  }
0x5a: {  	_ =	shalt  }
0x5b: {  	_ =	shalt  }
0x5c: {  	_ =	shalt  }
0x5d: {  	_ =	shalt  }
0x5e: {  	_ =	shalt  }
0x5f: {  	_ =	shalt  }
0x60: {  	_ =	shalt  }
0x61: {  	_ =	shalt  }
0x62: {  	_ =	shalt  }
0x63: {  	_ =	shalt  }
0x64: {  	_ =	shalt  }
0x65: {  	_ =	shalt  }
0x66: {  	_ =	shalt  }
0x67: {  	_ =	shalt  }
0x68: {  	_ =	shalt  }
0x69: {  	_ =	shalt  }
0x6a: {  	_ =	shalt  }
0x6b: {  	_ =	shalt  }
0x6c: {  	_ =	shalt  }
0x6d: {  	_ =	shalt  }
0x6e: {  	_ =	shalt  }
0x6f: {  	_ =	shalt  }
0x70: {  	_ =	shalt  }
0x71: {  	_ =	shalt  }
0x72: {  	_ =	shalt  }
0x73: {  	_ =	shalt  }
0x74: {  	_ =	shalt  }
0x75: {  	_ =	shalt  }
0x76: {  	_ =	shalt  }
0x77: {  	_ =	shalt  }
0x78: {  	_ =	shalt  }
0x79: {  	_ =	shalt  }
0x7a: {  	_ =	shalt  }
0x7b: {  	_ =	shalt  }
0x7c: {  	_ =	shalt  }
0x7d: {  	_ =	shalt  }
0x7e: {  	_ =	shalt  }
0x7f: {  	_ =	shalt  }
0x80: {  	_ =	shalt  }
0x81: {  	_ =	shalt  }
0x82: {  	_ =	shalt  }
0x83: {  	_ =	shalt  }
0x84: {  	_ =	shalt  }
0x85: {  	_ =	shalt  }
0x86: {  	_ =	shalt  }
0x87: {  	_ =	shalt  }
.Lfunc_end0:
.L_simem_size_0:
called_computation.1_lowered:
.L_overlay_start_0:
0x88: {  	s2 =	sld [smem:$0x3FD9]  }
0x89: {  	s3 =	sld [smem:$0x3FFE];
	_ =	sdelay $0x1  }
0x8a: {  	s1 =	srdreg.scid  }
0x8b: {  	s0 =	sand.u32 $0x1, s1  }
0x8c: {  	s16 =	sshll.u32 s0, $0xA;
	s2 =	sadd.s32 s3, s2  }
0x8d: {  	s2 =	sadd.s32 s2, s16  }
0x8e: {  	[smem:$0x3FC2] =	sst s2  }
0x8f: {  	_ = 	snop  }
0x90: {  	(tm) =	ssettm $0x1  }
0x91: {  	s17 =	sld [smem:$0x3FFB];
	_ =	sdelay $0x3  }
0x92: {  	_ =	strace s17  }
0x93: {  	s2 =	sld [smem:$0x3FFC];
	_ =	sdelay $0x3  }
0x94: {  	_ =	strace s2  }
0x95: {  	s2 =	sld [smem:$0x3FFD];
	_ =	sdelay $0x3  }
0x96: {  	_ =	strace s2  }
0x97: {  	_ =	strace $0x8FFFFFFF  }
0x98: {  	s18 =	sld [smem:$0x3FDB];
	_ =	sdelay $0x1  }
0x99: {  	s19 =	simm.s32 $_scs_section_size  }
0x9a: {  	s4 =	simm.s32 $_size__tile_overlayer_lowered;
	s5 =	simm.s32 $_tile_overlayer_lowered  }
0x9b: {  	s22 =	simm.s32 $0x1BFF;
	s21 =	sshll.u32 s5, $0x1;
	s2 =	sadd.s32 s19, s18  }
0x9c: {  	s6 =	simm.s32 $0x0;
	s20 =	sshll.u32 s4, $0x1;
	s4 =	sadd.s32 s21, s2  }
0x9d: {  	[timem:s6], [sflag:s22] =	dma.local [hbm:s4], s20  }
0x9e: {  	_ =	swait.ge [sflag:s22], s20  }
0x9f: {  	s3 =	ssub.s32 $0x0, s20;
	[sflag:s22] =	ssyncset.done $0x0  }
0xa0: {  	[sflag:s22] =	ssyncadd.s32 s3;
	_ =	sdelay $0x1  }
0xa1: {  	s23 =	simm.s32 $0x1B8B  }
0xa2: {  	_ =	swait.ge [sflag:s23], $0x1  }
0xa3: {  	[sflag:s23] =	ssyncset.done $0x0  }
0xa4: {  	s25 =	simm.s32 $0x1B8E;
	s24 =	sld [smem:$0x3FFE];
	[sflag:s23] =	ssyncadd.s32 $0xFFFFFFFF  }
0xa5: {  	s26 =	simm.s32 $execute0_lowered;
	[smem:$0x3FD2] =	sst s25  }
0xa6: {  	s4 =	sshll.u32 s26, $0x1;
	_ =	strace $0x80000049;
	[dreg:$0x1] =	wrdreg $0xFFFFFFFF  }
0xa7: {  	s28 =	simm.s32 $_size_execute0_lowered;
	s2 =	sadd.s32 s2, s4;
	[dreg:$0x0] =	wrdreg $0x0  }
0xa8: {  	s4 =	sshll.u32 s28, $0x1;
	[dreg:$0x2] =	wrdreg s2  }
0xa9: {  	[dreg:$0x3] =	wrdreg s4  }
0xaa: {  	[dreg:$0x4] =	wrdreg $0xC0  }
0xab: {  	_ =	task [dreg:s6], $0x5FFFF  }
0xac: {  	[dreg:$0x1] =	wrdreg $0xFFFFFFFF  }
0xad: {  	[dreg:$0x0] =	wrdreg $0x60  }
0xae: {  	[dreg:$0x2] =	wrdreg s24  }
0xaf: {  	[dreg:$0x3] =	wrdreg $0x9  }
0xb0: {  	_ =	task.clear_ibuf [dreg:s6], $0x4FFFF;
	_ =	strace $0x90000049  }
0xb1: {  	s29 =	simm.s32 $0x9;
	_ =	strace $0x8000004B  }
0xb2: {  	_ =	swait.ge [sflag:s29], $0x1  }
0xb3: {  	[sflag:s29] =	ssyncadd.s32 $0xFFFFFFFF  }
0xb4: {  	_ =	strace $0x9000004B  }
0xb5: {  	_ =	sfence  }
0xb6: {  	s30 =	sld [smem:$0x0];
	_ =	sdelay $0x2  }
0xb7: {  	s31 =	sshll.u32 s1, $0xD;
	s1 =	sshrl.u32 s1, $0x2  }
0xb8: {  	s3 =	sand.u32 $0x4000, s31;
	s1 =	sadd.s32 s1, s30  }
0xb9: {  	s0 =	sor.u32 s3, s0;
	s1 =	sshll.u32 s1, $0x11  }
0xba: {  	s0 =	sor.u32 s1, s0  }
0xbb: {  	s0 =	sadd.s32 $0x8F2B, s0  }
0xbc: {  	[sflag:s0] =	ssyncadd.remote.s32 $0x1  }
0xbd: {  	_ =	sfence.sel $0xFFFF  }
0xbe: {  	[dreg:$0x0] =	wrdreg $0xFFFFFFFF;
	(pc) =	sbr.abs _section_cstart, $3  }
0xbf: {  	[dreg:$0x1] =	wrdreg $0xFFFFFFFF  }
0xc0: {  	_ =	task.clear_ibuf [dreg:s6], $0x2FFFF;
	_ =	strace $0x9FFFFFFF  }
0xc1: {  	(tm) =	ssettm $0x7FFFFFFF  }
tec
execute0_lowered:
.L_overlay_start_1:
0x0: {  	(tag) =	ssettag $0x1  }
0x1: {  	s0 =	srdreg.scid  }
0x2: {  	s1 =	stileid.u32;
	s10 =	rddreg [dreg:$0x0];
	s2 =	simm.s32 $0x0  }
0x3: {  	s13 =	simm.s32 $0x400;
	s0 =	sand.u32 $0x1, s0;
	s1 =	sshll.u32 s1, $0x1  }
0x4: {  	s14 =	simm.s32 $0x8400;
	s15 =	simm.s32 $0x1;
	s1 =	sor.u32 s0, s1  }
0x5: {  	s31 =	simm.s32 $0x4;
	[smem:$0x7FF] =	sst s2;
	s3 =	sshll.u32 s1, $0x7  }
0x6: {  	s6 =	sadd.s32 $0x11D00, s10;
	s1 =	sshll.u32 s1, $0xF;
	s3 =	sadd.s32 s3, s10  }
0x7: {  	_ =	strace $0x8000004A;
	s1 =	sadd.s32 s1, s10;
	s3 =	sadd.s32 $0x10A00, s3  }
0x8: {  	s0 =	ssub.s32 $0x2, s0;
	s29 =	sadd.s32 $0x118000, s1;
	[dreg:$0x2] =	wrdreg s3  }
0x9: {  	s4 =	sshrl.u32 s0, $0x1;
	s5 =	sadd.s32 $0x119000, s1;
	[dreg:$0x3] =	wrdreg s29  }
0xa: {  	s0 =	ssub.s32 s0, s4;
	s7 =	sadd.s32 $0x11A000, s1;
	[dreg:$0x4] =	wrdreg s5  }
0xb: {  	s4 =	sadd.s32 $0x11B00, s10;
	s8 =	sadd.s32 $0x11B000, s1;
	[dreg:$0x5] =	wrdreg s7  }
0xc: {  	s9 =	sadd.s32 $0x11C000, s1;
	s11 =	sadd.s32 $0x11D000, s1;
	[dreg:$0x6] =	wrdreg s8  }
0xd: {  	s30 =	sadd.s32 $0x11E000, s1;
	s1 =	sadd.s32 $0x11F000, s1;
	[dreg:$0x7] =	wrdreg s9  }
0xe: {  	s3 =	sadd.s32 $0x11A00, s10;
	s5 =	sadd.s32 $0x11C00, s10;
	[dreg:$0x8] =	wrdreg s11  }
0xf: {  	v2 =	vlaneseq.u32;
	s7 =	sadd.s32 $0x11E00, s10;
	s8 =	sadd.s32 $0x11F00, s10;
	[dreg:$0x9] =	wrdreg s30  }
0x10: {  	vm0 =	vmmov $0xffff;
	v1 =	vshrl.u32 v2, $0x3;
	s9 =	sadd.s32 $0x12000, s10;
	s10 =	sadd.s32 $0x12100, s10;
	[dreg:$0xa] =	wrdreg s1  }
0x11: {  	v0 =	vand.u32 $0x7, v2;
	v2 =	vor.u32 $0x8, v2;
	v1 =	vmul.u32 $0x8, v1;
	s11 =	smax.u32 s0, $0x1;
	s1 =	simm.s32 $0x3;
	s0 =	simm.s32 $0x2  }
.LBB2_1:
0x12: {  	s12 =	rddreg [dreg:$0x2];
	s16 =	simm.s32 $0x5  }
0x13: {  	[tilespmem:s2], [sflag:$0x5] =	stream.linear.gather [hbm4b:s12+s2], $0x400, $0x38;
	[tilespmem:$0x10400] =	vst v63  }
0x14: {  	_ =	swait.ge [sflag:s16], $0x400  }
0x15: {  	[sflag:s16] =	ssyncset.done $0x0  }
0x16: {  	s26 =	rddreg [dreg:$0x3];
	[sflag:s16] =	ssyncadd.s32 $0xFFFFFC00  }
0x17: {  	[tilespmem:s13], [sflag:$0x1] =	stream.linear.gather [hbm4b:s26+s2], $0x8000, $0x38;
	[tilespmem:$0x10400] =	vst v63  }
0x18: {  	s28 =	rddreg [dreg:$0x4]  }
0x19: {  	[tilespmem:s14], [sflag:$0x2] =	stream.linear.gather [hbm4b:s28+s2], $0x8000, $0x38;
	[tilespmem:$0x10400] =	vst v63  }
0x1a: {  	_ =	swait.ge [sflag:s15], $0x8000  }
0x1b: {  	[sflag:s15] =	ssyncset.done $0x0  }
0x1c: {  	[sflag:s15] =	ssyncadd.s32 $0xFFFF8000  }
0x1d: {  	v3 =	vld [tilespmem:$0x0];
	_ =	sdelay $0x4  }
0x1e: {  	v4 =	vshll.u32 v3, $0x4  }
0x1f: {  	v3 =	vand.u32 $0x7, v3;
	v4 =	vand.u32 $0xFFFFFF80, v4  }
0x20: {  	v3 =	vor.u32 v3, v4  }
0x21: {  	v4 =	vperm.xlane v3, v0;
	_ =	sdelay $0x1  }
0x22: {  	v4 =	vadd.s32 v1, v4;
	_ =	sdelay $0x4  }
0x23: {  	[hbm4b:s3+s2] =	stream.indirect_vreg.scatter [tilespmem:s13], [sflag:$0x3], $0x80, v4, vm0, $0xb8;
	[tilespmem:$0x10400] =	vst v63  }
0x24: {  	s29 =	simm.s32 $0xC00  }
0x25: {  	[hbm4b:s4+s2] =	stream.indirect_vreg.scatter [tilespmem:s29], [sflag:$0x3], $0x80, v4, vm0, $0xb8;
	[tilespmem:$0x10400] =	vst v63  }
0x26: {  	s30 =	simm.s32 $0x1400  }
0x27: {  	[hbm4b:s5+s2] =	stream.indirect_vreg.scatter [tilespmem:s30], [sflag:$0x3], $0x80, v4, vm0, $0xb8;
	[tilespmem:$0x10400] =	vst v63  }
0x28: {  	s16 =	simm.s32 $0x1C00  }
0x29: {  	[hbm4b:s6+s2] =	stream.indirect_vreg.scatter [tilespmem:s16], [sflag:$0x3], $0x80, v4, vm0, $0xb8;
	[tilespmem:$0x10400] =	vst v63  }
0x2a: {  	s17 =	simm.s32 $0x2400  }
0x2b: {  	[hbm4b:s7+s2] =	stream.indirect_vreg.scatter [tilespmem:s17], [sflag:$0x3], $0x80, v4, vm0, $0xb8;
	[tilespmem:$0x10400] =	vst v63  }
0x2c: {  	s18 =	simm.s32 $0x2C00;
	v3 =	vperm.xlane v3, v2  }
0x2d: {  	[hbm4b:s8+s2] =	stream.indirect_vreg.scatter [tilespmem:s18], [sflag:$0x3], $0x80, v4, vm0, $0xb8;
	[tilespmem:$0x10400] =	vst v63  }
0x2e: {  	s19 =	simm.s32 $0x3400;
	v3 =	vadd.s32 v1, v3  }
0x2f: {  	[hbm4b:s9+s2] =	stream.indirect_vreg.scatter [tilespmem:s19], [sflag:$0x3], $0x80, v4, vm0, $0xb8;
	[tilespmem:$0x10400] =	vst v63  }
0x30: {  	s20 =	simm.s32 $0x3C00  }
0x31: {  	[hbm4b:s10+s2] =	stream.indirect_vreg.scatter [tilespmem:s20], [sflag:$0x3], $0x80, v4, vm0, $0xb8;
	[tilespmem:$0x10400] =	vst v63  }
0x32: {  	s21 =	simm.s32 $0x4400  }
0x33: {  	[hbm4b:s3+s2] =	stream.indirect_vreg.scatter [tilespmem:s21], [sflag:$0x3], $0x80, v3, vm0, $0xb8;
	[tilespmem:$0x10400] =	vst v63  }
0x34: {  	s22 =	simm.s32 $0x4C00  }
0x35: {  	[hbm4b:s4+s2] =	stream.indirect_vreg.scatter [tilespmem:s22], [sflag:$0x3], $0x80, v3, vm0, $0xb8;
	[tilespmem:$0x10400] =	vst v63  }
0x36: {  	s23 =	simm.s32 $0x5400  }
0x37: {  	[hbm4b:s5+s2] =	stream.indirect_vreg.scatter [tilespmem:s23], [sflag:$0x3], $0x80, v3, vm0, $0xb8;
	[tilespmem:$0x10400] =	vst v63  }
0x38: {  	s24 =	simm.s32 $0x5C00  }
0x39: {  	[hbm4b:s6+s2] =	stream.indirect_vreg.scatter [tilespmem:s24], [sflag:$0x3], $0x80, v3, vm0, $0xb8;
	[tilespmem:$0x10400] =	vst v63  }
0x3a: {  	s25 =	simm.s32 $0x6400  }
0x3b: {  	[hbm4b:s7+s2] =	stream.indirect_vreg.scatter [tilespmem:s25], [sflag:$0x3], $0x80, v3, vm0, $0xb8;
	[tilespmem:$0x10400] =	vst v63  }
0x3c: {  	s26 =	simm.s32 $0x6C00  }
0x3d: {  	[hbm4b:s8+s2] =	stream.indirect_vreg.scatter [tilespmem:s26], [sflag:$0x3], $0x80, v3, vm0, $0xb8;
	[tilespmem:$0x10400] =	vst v63  }
0x3e: {  	s28 =	simm.s32 $0x7400  }
0x3f: {  	[hbm4b:s9+s2] =	stream.indirect_vreg.scatter [tilespmem:s28], [sflag:$0x3], $0x80, v3, vm0, $0xb8;
	[tilespmem:$0x10400] =	vst v63  }
0x40: {  	s29 =	simm.s32 $0x7C00  }
0x41: {  	[hbm4b:s10+s2] =	stream.indirect_vreg.scatter [tilespmem:s29], [sflag:$0x3], $0x80, v3, vm0, $0xb8;
	[tilespmem:$0x10400] =	vst v63  }
0x42: {  	_ =	swait.ge [sflag:s1], $0x8000  }
0x43: {  	[sflag:s1] =	ssyncset.done $0x0  }
0x44: {  	s30 =	rddreg [dreg:$0x5];
	[sflag:s1] =	ssyncadd.s32 $0xFFFF8000  }
0x45: {  	[tilespmem:s13], [sflag:$0x1] =	stream.linear.gather [hbm4b:s30+s2], $0x8000, $0x38;
	[tilespmem:$0x10400] =	vst v63  }
0x46: {  	_ =	swait.ge [sflag:s0], $0x8000  }
0x47: {  	[sflag:s0] =	ssyncset.done $0x0  }
0x48: {  	[sflag:s0] =	ssyncadd.s32 $0xFFFF8000  }
0x49: {  	v3 =	vld [tilespmem:$0x80];
	_ =	sdelay $0x4  }
0x4a: {  	v57 =	vshll.u32 v3, $0x4  }
0x4b: {  	v3 =	vand.u32 $0x7, v3;
	v4 =	vand.u32 $0xFFFFFF80, v57  }
0x4c: {  	v3 =	vor.u32 v3, v4  }
0x4d: {  	v4 =	vperm.xlane v3, v0;
	_ =	sdelay $0x1  }
0x4e: {  	v4 =	vadd.s32 v1, v4;
	_ =	sdelay $0x4  }
0x4f: {  	[hbm4b:s3+s2] =	stream.indirect_vreg.scatter [tilespmem:s14], [sflag:$0x4], $0x80, v4, vm0, $0xb8;
	[tilespmem:$0x10400] =	vst v63  }
0x50: {  	s16 =	simm.s32 $0x8C00  }
0x51: {  	[hbm4b:s4+s2] =	stream.indirect_vreg.scatter [tilespmem:s16], [sflag:$0x4], $0x80, v4, vm0, $0xb8;
	[tilespmem:$0x10400] =	vst v63  }
0x52: {  	s17 =	simm.s32 $0x9400  }
0x53: {  	[hbm4b:s5+s2] =	stream.indirect_vreg.scatter [tilespmem:s17], [sflag:$0x4], $0x80, v4, vm0, $0xb8;
	[tilespmem:$0x10400] =	vst v63  }
0x54: {  	s18 =	simm.s32 $0x9C00  }
0x55: {  	[hbm4b:s6+s2] =	stream.indirect_vreg.scatter [tilespmem:s18], [sflag:$0x4], $0x80, v4, vm0, $0xb8;
	[tilespmem:$0x10400] =	vst v63  }
0x56: {  	s19 =	simm.s32 $0xA400  }
0x57: {  	[hbm4b:s7+s2] =	stream.indirect_vreg.scatter [tilespmem:s19], [sflag:$0x4], $0x80, v4, vm0, $0xb8;
	[tilespmem:$0x10400] =	vst v63  }
0x58: {  	s20 =	simm.s32 $0xAC00;
	v3 =	vperm.xlane v3, v2  }
0x59: {  	[hbm4b:s8+s2] =	stream.indirect_vreg.scatter [tilespmem:s20], [sflag:$0x4], $0x80, v4, vm0, $0xb8;
	[tilespmem:$0x10400] =	vst v63  }
0x5a: {  	s21 =	simm.s32 $0xB400;
	v3 =	vadd.s32 v1, v3  }
0x5b: {  	[hbm4b:s9+s2] =	stream.indirect_vreg.scatter [tilespmem:s21], [sflag:$0x4], $0x80, v4, vm0, $0xb8;
	[tilespmem:$0x10400] =	vst v63  }
0x5c: {  	s22 =	simm.s32 $0xBC00  }
0x5d: {  	[hbm4b:s10+s2] =	stream.indirect_vreg.scatter [tilespmem:s22], [sflag:$0x4], $0x80, v4, vm0, $0xb8;
	[tilespmem:$0x10400] =	vst v63  }
0x5e: {  	s23 =	simm.s32 $0xC400  }
0x5f: {  	[hbm4b:s3+s2] =	stream.indirect_vreg.scatter [tilespmem:s23], [sflag:$0x4], $0x80, v3, vm0, $0xb8;
	[tilespmem:$0x10400] =	vst v63  }
0x60: {  	s24 =	simm.s32 $0xCC00  }
0x61: {  	[hbm4b:s4+s2] =	stream.indirect_vreg.scatter [tilespmem:s24], [sflag:$0x4], $0x80, v3, vm0, $0xb8;
	[tilespmem:$0x10400] =	vst v63  }
0x62: {  	s25 =	simm.s32 $0xD400  }
0x63: {  	[hbm4b:s5+s2] =	stream.indirect_vreg.scatter [tilespmem:s25], [sflag:$0x4], $0x80, v3, vm0, $0xb8;
	[tilespmem:$0x10400] =	vst v63  }
0x64: {  	s26 =	simm.s32 $0xDC00  }
0x65: {  	[hbm4b:s6+s2] =	stream.indirect_vreg.scatter [tilespmem:s26], [sflag:$0x4], $0x80, v3, vm0, $0xb8;
	[tilespmem:$0x10400] =	vst v63  }
0x66: {  	s28 =	simm.s32 $0xE400  }
0x67: {  	[hbm4b:s7+s2] =	stream.indirect_vreg.scatter [tilespmem:s28], [sflag:$0x4], $0x80, v3, vm0, $0xb8;
	[tilespmem:$0x10400] =	vst v63  }
0x68: {  	s29 =	simm.s32 $0xEC00  }
0x69: {  	[hbm4b:s8+s2] =	stream.indirect_vreg.scatter [tilespmem:s29], [sflag:$0x4], $0x80, v3, vm0, $0xb8;
	[tilespmem:$0x10400] =	vst v63  }
0x6a: {  	s30 =	simm.s32 $0xF400  }
0x6b: {  	[hbm4b:s9+s2] =	stream.indirect_vreg.scatter [tilespmem:s30], [sflag:$0x4], $0x80, v3, vm0, $0xb8;
	[tilespmem:$0x10400] =	vst v63  }
0x6c: {  	s12 =	simm.s32 $0xFC00  }
0x6d: {  	[hbm4b:s10+s2] =	stream.indirect_vreg.scatter [tilespmem:s12], [sflag:$0x4], $0x80, v3, vm0, $0xb8;
	[tilespmem:$0x10400] =	vst v63  }
0x6e: {  	_ =	swait.ge [sflag:s31], $0x8000  }
0x6f: {  	[sflag:s31] =	ssyncset.done $0x0  }
0x70: {  	s12 =	rddreg [dreg:$0x6];
	[sflag:s31] =	ssyncadd.s32 $0xFFFF8000  }
0x71: {  	[tilespmem:s14], [sflag:$0x2] =	stream.linear.gather [hbm4b:s12+s2], $0x8000, $0x38;
	[tilespmem:$0x10400] =	vst v63  }
0x72: {  	_ =	swait.ge [sflag:s15], $0x8000  }
0x73: {  	[sflag:s15] =	ssyncset.done $0x0  }
0x74: {  	[sflag:s15] =	ssyncadd.s32 $0xFFFF8000  }
0x75: {  	v3 =	vld [tilespmem:$0x100];
	_ =	sdelay $0x4  }
0x76: {  	v58 =	vshll.u32 v3, $0x4  }
0x77: {  	v3 =	vand.u32 $0x7, v3;
	v4 =	vand.u32 $0xFFFFFF80, v58  }
0x78: {  	v3 =	vor.u32 v3, v4  }
0x79: {  	v4 =	vperm.xlane v3, v0;
	_ =	sdelay $0x1  }
0x7a: {  	v4 =	vadd.s32 v1, v4;
	_ =	sdelay $0x4  }
0x7b: {  	[hbm4b:s3+s2] =	stream.indirect_vreg.scatter [tilespmem:s13], [sflag:$0x3], $0x80, v4, vm0, $0xb8;
	[tilespmem:$0x10400] =	vst v63  }
0x7c: {  	s12 =	simm.s32 $0xC00  }
0x7d: {  	[hbm4b:s4+s2] =	stream.indirect_vreg.scatter [tilespmem:s12], [sflag:$0x3], $0x80, v4, vm0, $0xb8;
	[tilespmem:$0x10400] =	vst v63  }
0x7e: {  	s12 =	simm.s32 $0x1400  }
0x7f: {  	[hbm4b:s5+s2] =	stream.indirect_vreg.scatter [tilespmem:s12], [sflag:$0x3], $0x80, v4, vm0, $0xb8;
	[tilespmem:$0x10400] =	vst v63  }
0x80: {  	s12 =	simm.s32 $0x1C00  }
0x81: {  	[hbm4b:s6+s2] =	stream.indirect_vreg.scatter [tilespmem:s12], [sflag:$0x3], $0x80, v4, vm0, $0xb8;
	[tilespmem:$0x10400] =	vst v63  }
0x82: {  	s12 =	simm.s32 $0x2400  }
0x83: {  	[hbm4b:s7+s2] =	stream.indirect_vreg.scatter [tilespmem:s12], [sflag:$0x3], $0x80, v4, vm0, $0xb8;
	[tilespmem:$0x10400] =	vst v63  }
0x84: {  	v3 =	vperm.xlane v3, v2;
	s12 =	simm.s32 $0x2C00  }
0x85: {  	[hbm4b:s8+s2] =	stream.indirect_vreg.scatter [tilespmem:s12], [sflag:$0x3], $0x80, v4, vm0, $0xb8;
	[tilespmem:$0x10400] =	vst v63  }
0x86: {  	v3 =	vadd.s32 v1, v3;
	s12 =	simm.s32 $0x3400  }
0x87: {  	[hbm4b:s9+s2] =	stream.indirect_vreg.scatter [tilespmem:s12], [sflag:$0x3], $0x80, v4, vm0, $0xb8;
	[tilespmem:$0x10400] =	vst v63  }
0x88: {  	s12 =	simm.s32 $0x3C00  }
0x89: {  	[hbm4b:s10+s2] =	stream.indirect_vreg.scatter [tilespmem:s12], [sflag:$0x3], $0x80, v4, vm0, $0xb8;
	[tilespmem:$0x10400] =	vst v63  }
0x8a: {  	s12 =	simm.s32 $0x4400  }
0x8b: {  	[hbm4b:s3+s2] =	stream.indirect_vreg.scatter [tilespmem:s12], [sflag:$0x3], $0x80, v3, vm0, $0xb8;
	[tilespmem:$0x10400] =	vst v63  }
0x8c: {  	s12 =	simm.s32 $0x4C00  }
0x8d: {  	[hbm4b:s4+s2] =	stream.indirect_vreg.scatter [tilespmem:s12], [sflag:$0x3], $0x80, v3, vm0, $0xb8;
	[tilespmem:$0x10400] =	vst v63  }
0x8e: {  	s12 =	simm.s32 $0x5400  }
0x8f: {  	[hbm4b:s5+s2] =	stream.indirect_vreg.scatter [tilespmem:s12], [sflag:$0x3], $0x80, v3, vm0, $0xb8;
	[tilespmem:$0x10400] =	vst v63  }
0x90: {  	s12 =	simm.s32 $0x5C00  }
0x91: {  	[hbm4b:s6+s2] =	stream.indirect_vreg.scatter [tilespmem:s12], [sflag:$0x3], $0x80, v3, vm0, $0xb8;
	[tilespmem:$0x10400] =	vst v63  }
0x92: {  	s12 =	simm.s32 $0x6400  }
0x93: {  	[hbm4b:s7+s2] =	stream.indirect_vreg.scatter [tilespmem:s12], [sflag:$0x3], $0x80, v3, vm0, $0xb8;
	[tilespmem:$0x10400] =	vst v63  }
0x94: {  	s12 =	simm.s32 $0x6C00  }
0x95: {  	[hbm4b:s8+s2] =	stream.indirect_vreg.scatter [tilespmem:s12], [sflag:$0x3], $0x80, v3, vm0, $0xb8;
	[tilespmem:$0x10400] =	vst v63  }
0x96: {  	s12 =	simm.s32 $0x7400  }
0x97: {  	[hbm4b:s9+s2] =	stream.indirect_vreg.scatter [tilespmem:s12], [sflag:$0x3], $0x80, v3, vm0, $0xb8;
	[tilespmem:$0x10400] =	vst v63  }
0x98: {  	s12 =	simm.s32 $0x7C00  }
0x99: {  	[hbm4b:s10+s2] =	stream.indirect_vreg.scatter [tilespmem:s12], [sflag:$0x3], $0x80, v3, vm0, $0xb8;
	[tilespmem:$0x10400] =	vst v63  }
0x9a: {  	_ =	swait.ge [sflag:s1], $0x8000  }
0x9b: {  	[sflag:s1] =	ssyncset.done $0x0  }
0x9c: {  	s12 =	rddreg [dreg:$0x7];
	[sflag:s1] =	ssyncadd.s32 $0xFFFF8000  }
0x9d: {  	[tilespmem:s13], [sflag:$0x1] =	stream.linear.gather [hbm4b:s12+s2], $0x8000, $0x38;
	[tilespmem:$0x10400] =	vst v63  }
0x9e: {  	_ =	swait.ge [sflag:s0], $0x8000  }
0x9f: {  	[sflag:s0] =	ssyncset.done $0x0  }
0xa0: {  	[sflag:s0] =	ssyncadd.s32 $0xFFFF8000  }
0xa1: {  	v3 =	vld [tilespmem:$0x180];
	_ =	sdelay $0x4  }
0xa2: {  	v59 =	vshll.u32 v3, $0x4  }
0xa3: {  	v3 =	vand.u32 $0x7, v3;
	v4 =	vand.u32 $0xFFFFFF80, v59  }
0xa4: {  	v3 =	vor.u32 v3, v4  }
0xa5: {  	v4 =	vperm.xlane v3, v0;
	_ =	sdelay $0x1  }
0xa6: {  	v4 =	vadd.s32 v1, v4;
	_ =	sdelay $0x4  }
0xa7: {  	[hbm4b:s3+s2] =	stream.indirect_vreg.scatter [tilespmem:s14], [sflag:$0x4], $0x80, v4, vm0, $0xb8;
	[tilespmem:$0x10400] =	vst v63  }
0xa8: {  	s16 =	simm.s32 $0x8C00  }
0xa9: {  	[hbm4b:s4+s2] =	stream.indirect_vreg.scatter [tilespmem:s16], [sflag:$0x4], $0x80, v4, vm0, $0xb8;
	[tilespmem:$0x10400] =	vst v63  }
0xaa: {  	s17 =	simm.s32 $0x9400  }
0xab: {  	[hbm4b:s5+s2] =	stream.indirect_vreg.scatter [tilespmem:s17], [sflag:$0x4], $0x80, v4, vm0, $0xb8;
	[tilespmem:$0x10400] =	vst v63  }
0xac: {  	s18 =	simm.s32 $0x9C00  }
0xad: {  	[hbm4b:s6+s2] =	stream.indirect_vreg.scatter [tilespmem:s18], [sflag:$0x4], $0x80, v4, vm0, $0xb8;
	[tilespmem:$0x10400] =	vst v63  }
0xae: {  	s19 =	simm.s32 $0xA400  }
0xaf: {  	[hbm4b:s7+s2] =	stream.indirect_vreg.scatter [tilespmem:s19], [sflag:$0x4], $0x80, v4, vm0, $0xb8;
	[tilespmem:$0x10400] =	vst v63  }
0xb0: {  	s20 =	simm.s32 $0xAC00;
	v3 =	vperm.xlane v3, v2  }
0xb1: {  	[hbm4b:s8+s2] =	stream.indirect_vreg.scatter [tilespmem:s20], [sflag:$0x4], $0x80, v4, vm0, $0xb8;
	[tilespmem:$0x10400] =	vst v63  }
0xb2: {  	s21 =	simm.s32 $0xB400;
	v3 =	vadd.s32 v1, v3  }
0xb3: {  	[hbm4b:s9+s2] =	stream.indirect_vreg.scatter [tilespmem:s21], [sflag:$0x4], $0x80, v4, vm0, $0xb8;
	[tilespmem:$0x10400] =	vst v63  }
0xb4: {  	s22 =	simm.s32 $0xBC00  }
0xb5: {  	[hbm4b:s10+s2] =	stream.indirect_vreg.scatter [tilespmem:s22], [sflag:$0x4], $0x80, v4, vm0, $0xb8;
	[tilespmem:$0x10400] =	vst v63  }
0xb6: {  	s23 =	simm.s32 $0xC400  }
0xb7: {  	[hbm4b:s3+s2] =	stream.indirect_vreg.scatter [tilespmem:s23], [sflag:$0x4], $0x80, v3, vm0, $0xb8;
	[tilespmem:$0x10400] =	vst v63  }
0xb8: {  	s24 =	simm.s32 $0xCC00  }
0xb9: {  	[hbm4b:s4+s2] =	stream.indirect_vreg.scatter [tilespmem:s24], [sflag:$0x4], $0x80, v3, vm0, $0xb8;
	[tilespmem:$0x10400] =	vst v63  }
0xba: {  	s25 =	simm.s32 $0xD400  }
0xbb: {  	[hbm4b:s5+s2] =	stream.indirect_vreg.scatter [tilespmem:s25], [sflag:$0x4], $0x80, v3, vm0, $0xb8;
	[tilespmem:$0x10400] =	vst v63  }
0xbc: {  	s26 =	simm.s32 $0xDC00  }
0xbd: {  	[hbm4b:s6+s2] =	stream.indirect_vreg.scatter [tilespmem:s26], [sflag:$0x4], $0x80, v3, vm0, $0xb8;
	[tilespmem:$0x10400] =	vst v63  }
0xbe: {  	s28 =	simm.s32 $0xE400  }
0xbf: {  	[hbm4b:s7+s2] =	stream.indirect_vreg.scatter [tilespmem:s28], [sflag:$0x4], $0x80, v3, vm0, $0xb8;
	[tilespmem:$0x10400] =	vst v63  }
0xc0: {  	s29 =	simm.s32 $0xEC00  }
0xc1: {  	[hbm4b:s8+s2] =	stream.indirect_vreg.scatter [tilespmem:s29], [sflag:$0x4], $0x80, v3, vm0, $0xb8;
	[tilespmem:$0x10400] =	vst v63  }
0xc2: {  	s30 =	simm.s32 $0xF400  }
0xc3: {  	[hbm4b:s9+s2] =	stream.indirect_vreg.scatter [tilespmem:s30], [sflag:$0x4], $0x80, v3, vm0, $0xb8;
	[tilespmem:$0x10400] =	vst v63  }
0xc4: {  	s26 =	simm.s32 $0xFC00  }
0xc5: {  	[hbm4b:s10+s2] =	stream.indirect_vreg.scatter [tilespmem:s26], [sflag:$0x4], $0x80, v3, vm0, $0xb8;
	[tilespmem:$0x10400] =	vst v63  }
0xc6: {  	_ =	swait.ge [sflag:s31], $0x8000  }
0xc7: {  	[sflag:s31] =	ssyncset.done $0x0  }
0xc8: {  	s28 =	rddreg [dreg:$0x8];
	[sflag:s31] =	ssyncadd.s32 $0xFFFF8000  }
0xc9: {  	[tilespmem:s14], [sflag:$0x2] =	stream.linear.gather [hbm4b:s28+s2], $0x8000, $0x38;
	[tilespmem:$0x10400] =	vst v63  }
0xca: {  	_ =	swait.ge [sflag:s15], $0x8000  }
0xcb: {  	[sflag:s15] =	ssyncset.done $0x0  }
0xcc: {  	[sflag:s15] =	ssyncadd.s32 $0xFFFF8000  }
0xcd: {  	v3 =	vld [tilespmem:$0x200];
	_ =	sdelay $0x4  }
0xce: {  	v60 =	vshll.u32 v3, $0x4  }
0xcf: {  	v3 =	vand.u32 $0x7, v3;
	v4 =	vand.u32 $0xFFFFFF80, v60  }
0xd0: {  	v3 =	vor.u32 v3, v4  }
0xd1: {  	v4 =	vperm.xlane v3, v0;
	_ =	sdelay $0x1  }
0xd2: {  	v4 =	vadd.s32 v1, v4;
	_ =	sdelay $0x4  }
0xd3: {  	[hbm4b:s3+s2] =	stream.indirect_vreg.scatter [tilespmem:s13], [sflag:$0x3], $0x80, v4, vm0, $0xb8;
	[tilespmem:$0x10400] =	vst v63  }
0xd4: {  	s29 =	simm.s32 $0xC00  }
0xd5: {  	[hbm4b:s4+s2] =	stream.indirect_vreg.scatter [tilespmem:s29], [sflag:$0x3], $0x80, v4, vm0, $0xb8;
	[tilespmem:$0x10400] =	vst v63  }
0xd6: {  	s30 =	simm.s32 $0x1400  }
0xd7: {  	[hbm4b:s5+s2] =	stream.indirect_vreg.scatter [tilespmem:s30], [sflag:$0x3], $0x80, v4, vm0, $0xb8;
	[tilespmem:$0x10400] =	vst v63  }
0xd8: {  	s17 =	simm.s32 $0x1C00  }
0xd9: {  	[hbm4b:s6+s2] =	stream.indirect_vreg.scatter [tilespmem:s17], [sflag:$0x3], $0x80, v4, vm0, $0xb8;
	[tilespmem:$0x10400] =	vst v63  }
0xda: {  	s18 =	simm.s32 $0x2400  }
0xdb: {  	[hbm4b:s7+s2] =	stream.indirect_vreg.scatter [tilespmem:s18], [sflag:$0x3], $0x80, v4, vm0, $0xb8;
	[tilespmem:$0x10400] =	vst v63  }
0xdc: {  	s19 =	simm.s32 $0x2C00;
	v3 =	vperm.xlane v3, v2  }
0xdd: {  	[hbm4b:s8+s2] =	stream.indirect_vreg.scatter [tilespmem:s19], [sflag:$0x3], $0x80, v4, vm0, $0xb8;
	[tilespmem:$0x10400] =	vst v63  }
0xde: {  	s20 =	simm.s32 $0x3400;
	v3 =	vadd.s32 v1, v3  }
0xdf: {  	[hbm4b:s9+s2] =	stream.indirect_vreg.scatter [tilespmem:s20], [sflag:$0x3], $0x80, v4, vm0, $0xb8;
	[tilespmem:$0x10400] =	vst v63  }
0xe0: {  	s21 =	simm.s32 $0x3C00  }
0xe1: {  	[hbm4b:s10+s2] =	stream.indirect_vreg.scatter [tilespmem:s21], [sflag:$0x3], $0x80, v4, vm0, $0xb8;
	[tilespmem:$0x10400] =	vst v63  }
0xe2: {  	s22 =	simm.s32 $0x4400  }
0xe3: {  	[hbm4b:s3+s2] =	stream.indirect_vreg.scatter [tilespmem:s22], [sflag:$0x3], $0x80, v3, vm0, $0xb8;
	[tilespmem:$0x10400] =	vst v63  }
0xe4: {  	s23 =	simm.s32 $0x4C00  }
0xe5: {  	[hbm4b:s4+s2] =	stream.indirect_vreg.scatter [tilespmem:s23], [sflag:$0x3], $0x80, v3, vm0, $0xb8;
	[tilespmem:$0x10400] =	vst v63  }
0xe6: {  	s24 =	simm.s32 $0x5400  }
0xe7: {  	[hbm4b:s5+s2] =	stream.indirect_vreg.scatter [tilespmem:s24], [sflag:$0x3], $0x80, v3, vm0, $0xb8;
	[tilespmem:$0x10400] =	vst v63  }
0xe8: {  	s25 =	simm.s32 $0x5C00  }
0xe9: {  	[hbm4b:s6+s2] =	stream.indirect_vreg.scatter [tilespmem:s25], [sflag:$0x3], $0x80, v3, vm0, $0xb8;
	[tilespmem:$0x10400] =	vst v63  }
0xea: {  	s26 =	simm.s32 $0x6400  }
0xeb: {  	[hbm4b:s7+s2] =	stream.indirect_vreg.scatter [tilespmem:s26], [sflag:$0x3], $0x80, v3, vm0, $0xb8;
	[tilespmem:$0x10400] =	vst v63  }
0xec: {  	s28 =	simm.s32 $0x6C00  }
0xed: {  	[hbm4b:s8+s2] =	stream.indirect_vreg.scatter [tilespmem:s28], [sflag:$0x3], $0x80, v3, vm0, $0xb8;
	[tilespmem:$0x10400] =	vst v63  }
0xee: {  	s29 =	simm.s32 $0x7400  }
0xef: {  	[hbm4b:s9+s2] =	stream.indirect_vreg.scatter [tilespmem:s29], [sflag:$0x3], $0x80, v3, vm0, $0xb8;
	[tilespmem:$0x10400] =	vst v63  }
0xf0: {  	s30 =	simm.s32 $0x7C00  }
0xf1: {  	[hbm4b:s10+s2] =	stream.indirect_vreg.scatter [tilespmem:s30], [sflag:$0x3], $0x80, v3, vm0, $0xb8;
	[tilespmem:$0x10400] =	vst v63  }
0xf2: {  	_ =	swait.ge [sflag:s1], $0x8000  }
0xf3: {  	[sflag:s1] =	ssyncset.done $0x0  }
0xf4: {  	s17 =	rddreg [dreg:$0x9];
	[sflag:s1] =	ssyncadd.s32 $0xFFFF8000  }
0xf5: {  	[tilespmem:s13], [sflag:$0x1] =	stream.linear.gather [hbm4b:s17+s2], $0x8000, $0x38;
	[tilespmem:$0x10400] =	vst v63  }
0xf6: {  	_ =	swait.ge [sflag:s0], $0x8000  }
0xf7: {  	[sflag:s0] =	ssyncset.done $0x0  }
0xf8: {  	[sflag:s0] =	ssyncadd.s32 $0xFFFF8000  }
0xf9: {  	v3 =	vld [tilespmem:$0x280];
	_ =	sdelay $0x4  }
0xfa: {  	v61 =	vshll.u32 v3, $0x4  }
0xfb: {  	v3 =	vand.u32 $0x7, v3;
	v4 =	vand.u32 $0xFFFFFF80, v61  }
0xfc: {  	v3 =	vor.u32 v3, v4  }
0xfd: {  	v4 =	vperm.xlane v3, v0;
	_ =	sdelay $0x1  }
0xfe: {  	v4 =	vadd.s32 v1, v4;
	_ =	sdelay $0x4  }
0xff: {  	[hbm4b:s3+s2] =	stream.indirect_vreg.scatter [tilespmem:s14], [sflag:$0x4], $0x80, v4, vm0, $0xb8;
	[tilespmem:$0x10400] =	vst v63  }
0x100: {  	s16 =	simm.s32 $0x8C00  }
0x101: {  	[hbm4b:s4+s2] =	stream.indirect_vreg.scatter [tilespmem:s16], [sflag:$0x4], $0x80, v4, vm0, $0xb8;
	[tilespmem:$0x10400] =	vst v63  }
0x102: {  	s18 =	simm.s32 $0x9400  }
0x103: {  	[hbm4b:s5+s2] =	stream.indirect_vreg.scatter [tilespmem:s18], [sflag:$0x4], $0x80, v4, vm0, $0xb8;
	[tilespmem:$0x10400] =	vst v63  }
0x104: {  	s19 =	simm.s32 $0x9C00  }
0x105: {  	[hbm4b:s6+s2] =	stream.indirect_vreg.scatter [tilespmem:s19], [sflag:$0x4], $0x80, v4, vm0, $0xb8;
	[tilespmem:$0x10400] =	vst v63  }
0x106: {  	s20 =	simm.s32 $0xA400  }
0x107: {  	[hbm4b:s7+s2] =	stream.indirect_vreg.scatter [tilespmem:s20], [sflag:$0x4], $0x80, v4, vm0, $0xb8;
	[tilespmem:$0x10400] =	vst v63  }
0x108: {  	s21 =	simm.s32 $0xAC00;
	v3 =	vperm.xlane v3, v2  }
0x109: {  	[hbm4b:s8+s2] =	stream.indirect_vreg.scatter [tilespmem:s21], [sflag:$0x4], $0x80, v4, vm0, $0xb8;
	[tilespmem:$0x10400] =	vst v63  }
0x10a: {  	s22 =	simm.s32 $0xB400;
	v3 =	vadd.s32 v1, v3  }
0x10b: {  	[hbm4b:s9+s2] =	stream.indirect_vreg.scatter [tilespmem:s22], [sflag:$0x4], $0x80, v4, vm0, $0xb8;
	[tilespmem:$0x10400] =	vst v63  }
0x10c: {  	s23 =	simm.s32 $0xBC00  }
0x10d: {  	[hbm4b:s10+s2] =	stream.indirect_vreg.scatter [tilespmem:s23], [sflag:$0x4], $0x80, v4, vm0, $0xb8;
	[tilespmem:$0x10400] =	vst v63  }
0x10e: {  	s24 =	simm.s32 $0xC400  }
0x10f: {  	[hbm4b:s3+s2] =	stream.indirect_vreg.scatter [tilespmem:s24], [sflag:$0x4], $0x80, v3, vm0, $0xb8;
	[tilespmem:$0x10400] =	vst v63  }
0x110: {  	s25 =	simm.s32 $0xCC00  }
0x111: {  	[hbm4b:s4+s2] =	stream.indirect_vreg.scatter [tilespmem:s25], [sflag:$0x4], $0x80, v3, vm0, $0xb8;
	[tilespmem:$0x10400] =	vst v63  }
0x112: {  	s26 =	simm.s32 $0xD400  }
0x113: {  	[hbm4b:s5+s2] =	stream.indirect_vreg.scatter [tilespmem:s26], [sflag:$0x4], $0x80, v3, vm0, $0xb8;
	[tilespmem:$0x10400] =	vst v63  }
0x114: {  	s28 =	simm.s32 $0xDC00  }
0x115: {  	[hbm4b:s6+s2] =	stream.indirect_vreg.scatter [tilespmem:s28], [sflag:$0x4], $0x80, v3, vm0, $0xb8;
	[tilespmem:$0x10400] =	vst v63  }
0x116: {  	s29 =	simm.s32 $0xE400  }
0x117: {  	[hbm4b:s7+s2] =	stream.indirect_vreg.scatter [tilespmem:s29], [sflag:$0x4], $0x80, v3, vm0, $0xb8;
	[tilespmem:$0x10400] =	vst v63  }
0x118: {  	s30 =	simm.s32 $0xEC00  }
0x119: {  	[hbm4b:s8+s2] =	stream.indirect_vreg.scatter [tilespmem:s30], [sflag:$0x4], $0x80, v3, vm0, $0xb8;
	[tilespmem:$0x10400] =	vst v63  }
0x11a: {  	s16 =	simm.s32 $0xF400  }
0x11b: {  	[hbm4b:s9+s2] =	stream.indirect_vreg.scatter [tilespmem:s16], [sflag:$0x4], $0x80, v3, vm0, $0xb8;
	[tilespmem:$0x10400] =	vst v63  }
0x11c: {  	s16 =	simm.s32 $0xFC00  }
0x11d: {  	[hbm4b:s10+s2] =	stream.indirect_vreg.scatter [tilespmem:s16], [sflag:$0x4], $0x80, v3, vm0, $0xb8;
	[tilespmem:$0x10400] =	vst v63  }
0x11e: {  	_ =	swait.ge [sflag:s31], $0x8000  }
0x11f: {  	[sflag:s31] =	ssyncset.done $0x0  }
0x120: {  	s12 =	rddreg [dreg:$0xa];
	[sflag:s31] =	ssyncadd.s32 $0xFFFF8000  }
0x121: {  	[tilespmem:s14], [sflag:$0x2] =	stream.linear.gather [hbm4b:s12+s2], $0x8000, $0x38;
	[tilespmem:$0x10400] =	vst v63  }
0x122: {  	_ =	swait.ge [sflag:s15], $0x8000  }
0x123: {  	[sflag:s15] =	ssyncset.done $0x0  }
0x124: {  	[sflag:s15] =	ssyncadd.s32 $0xFFFF8000  }
0x125: {  	v3 =	vld [tilespmem:$0x300];
	_ =	sdelay $0x4  }
0x126: {  	v62 =	vshll.u32 v3, $0x4  }
0x127: {  	v3 =	vand.u32 $0x7, v3;
	v4 =	vand.u32 $0xFFFFFF80, v62  }
0x128: {  	v3 =	vor.u32 v3, v4  }
0x129: {  	v4 =	vperm.xlane v3, v0;
	_ =	sdelay $0x1  }
0x12a: {  	v4 =	vadd.s32 v1, v4;
	_ =	sdelay $0x4  }
0x12b: {  	[hbm4b:s3+s2] =	stream.indirect_vreg.scatter [tilespmem:s13], [sflag:$0x3], $0x80, v4, vm0, $0xb8;
	[tilespmem:$0x10400] =	vst v63  }
0x12c: {  	s12 =	simm.s32 $0xC00  }
0x12d: {  	[hbm4b:s4+s2] =	stream.indirect_vreg.scatter [tilespmem:s12], [sflag:$0x3], $0x80, v4, vm0, $0xb8;
	[tilespmem:$0x10400] =	vst v63  }
0x12e: {  	s12 =	simm.s32 $0x1400  }
0x12f: {  	[hbm4b:s5+s2] =	stream.indirect_vreg.scatter [tilespmem:s12], [sflag:$0x3], $0x80, v4, vm0, $0xb8;
	[tilespmem:$0x10400] =	vst v63  }
0x130: {  	s12 =	simm.s32 $0x1C00  }
0x131: {  	[hbm4b:s6+s2] =	stream.indirect_vreg.scatter [tilespmem:s12], [sflag:$0x3], $0x80, v4, vm0, $0xb8;
	[tilespmem:$0x10400] =	vst v63  }
0x132: {  	s12 =	simm.s32 $0x2400  }
0x133: {  	[hbm4b:s7+s2] =	stream.indirect_vreg.scatter [tilespmem:s12], [sflag:$0x3], $0x80, v4, vm0, $0xb8;
	[tilespmem:$0x10400] =	vst v63  }
0x134: {  	v3 =	vperm.xlane v3, v2;
	s12 =	simm.s32 $0x2C00  }
0x135: {  	[hbm4b:s8+s2] =	stream.indirect_vreg.scatter [tilespmem:s12], [sflag:$0x3], $0x80, v4, vm0, $0xb8;
	[tilespmem:$0x10400] =	vst v63  }
0x136: {  	v3 =	vadd.s32 v1, v3;
	s12 =	simm.s32 $0x3400  }
0x137: {  	[hbm4b:s9+s2] =	stream.indirect_vreg.scatter [tilespmem:s12], [sflag:$0x3], $0x80, v4, vm0, $0xb8;
	[tilespmem:$0x10400] =	vst v63  }
0x138: {  	s12 =	simm.s32 $0x3C00  }
0x139: {  	[hbm4b:s10+s2] =	stream.indirect_vreg.scatter [tilespmem:s12], [sflag:$0x3], $0x80, v4, vm0, $0xb8;
	[tilespmem:$0x10400] =	vst v63  }
0x13a: {  	s12 =	simm.s32 $0x4400  }
0x13b: {  	[hbm4b:s3+s2] =	stream.indirect_vreg.scatter [tilespmem:s12], [sflag:$0x3], $0x80, v3, vm0, $0xb8;
	[tilespmem:$0x10400] =	vst v63  }
0x13c: {  	s12 =	simm.s32 $0x4C00  }
0x13d: {  	[hbm4b:s4+s2] =	stream.indirect_vreg.scatter [tilespmem:s12], [sflag:$0x3], $0x80, v3, vm0, $0xb8;
	[tilespmem:$0x10400] =	vst v63  }
0x13e: {  	s12 =	simm.s32 $0x5400  }
0x13f: {  	[hbm4b:s5+s2] =	stream.indirect_vreg.scatter [tilespmem:s12], [sflag:$0x3], $0x80, v3, vm0, $0xb8;
	[tilespmem:$0x10400] =	vst v63  }
0x140: {  	s12 =	simm.s32 $0x5C00  }
0x141: {  	[hbm4b:s6+s2] =	stream.indirect_vreg.scatter [tilespmem:s12], [sflag:$0x3], $0x80, v3, vm0, $0xb8;
	[tilespmem:$0x10400] =	vst v63  }
0x142: {  	s12 =	simm.s32 $0x6400  }
0x143: {  	[hbm4b:s7+s2] =	stream.indirect_vreg.scatter [tilespmem:s12], [sflag:$0x3], $0x80, v3, vm0, $0xb8;
	[tilespmem:$0x10400] =	vst v63  }
0x144: {  	s12 =	simm.s32 $0x6C00  }
0x145: {  	[hbm4b:s8+s2] =	stream.indirect_vreg.scatter [tilespmem:s12], [sflag:$0x3], $0x80, v3, vm0, $0xb8;
	[tilespmem:$0x10400] =	vst v63  }
0x146: {  	s12 =	simm.s32 $0x7400  }
0x147: {  	[hbm4b:s9+s2] =	stream.indirect_vreg.scatter [tilespmem:s12], [sflag:$0x3], $0x80, v3, vm0, $0xb8;
	[tilespmem:$0x10400] =	vst v63  }
0x148: {  	s12 =	simm.s32 $0x7C00  }
0x149: {  	[hbm4b:s10+s2] =	stream.indirect_vreg.scatter [tilespmem:s12], [sflag:$0x3], $0x80, v3, vm0, $0xb8;
	[tilespmem:$0x10400] =	vst v63  }
0x14a: {  	_ =	swait.ge [sflag:s0], $0x8000  }
0x14b: {  	[sflag:s0] =	ssyncset.done $0x0  }
0x14c: {  	[sflag:s0] =	ssyncadd.s32 $0xFFFF8000  }
0x14d: {  	v3 =	vld [tilespmem:$0x380];
	_ =	sdelay $0x4  }
0x14e: {  	v63 =	vshll.u32 v3, $0x4  }
0x14f: {  	v3 =	vand.u32 $0x7, v3;
	v4 =	vand.u32 $0xFFFFFF80, v63  }
0x150: {  	v3 =	vor.u32 v3, v4  }
0x151: {  	v4 =	vperm.xlane v3, v0;
	_ =	sdelay $0x1  }
0x152: {  	v4 =	vadd.s32 v1, v4;
	_ =	sdelay $0x4  }
0x153: {  	[hbm4b:s3+s2] =	stream.indirect_vreg.scatter [tilespmem:s14], [sflag:$0x4], $0x80, v4, vm0, $0xb8;
	[tilespmem:$0x10400] =	vst v63  }
0x154: {  	s17 =	simm.s32 $0x8C00  }
0x155: {  	[hbm4b:s4+s2] =	stream.indirect_vreg.scatter [tilespmem:s17], [sflag:$0x4], $0x80, v4, vm0, $0xb8;
	[tilespmem:$0x10400] =	vst v63  }
0x156: {  	s18 =	simm.s32 $0x9400  }
0x157: {  	[hbm4b:s5+s2] =	stream.indirect_vreg.scatter [tilespmem:s18], [sflag:$0x4], $0x80, v4, vm0, $0xb8;
	[tilespmem:$0x10400] =	vst v63  }
0x158: {  	s19 =	simm.s32 $0x9C00  }
0x159: {  	[hbm4b:s6+s2] =	stream.indirect_vreg.scatter [tilespmem:s19], [sflag:$0x4], $0x80, v4, vm0, $0xb8;
	[tilespmem:$0x10400] =	vst v63  }
0x15a: {  	s20 =	simm.s32 $0xA400  }
0x15b: {  	[hbm4b:s7+s2] =	stream.indirect_vreg.scatter [tilespmem:s20], [sflag:$0x4], $0x80, v4, vm0, $0xb8;
	[tilespmem:$0x10400] =	vst v63  }
0x15c: {  	s21 =	simm.s32 $0xAC00;
	v3 =	vperm.xlane v3, v2  }
0x15d: {  	[hbm4b:s8+s2] =	stream.indirect_vreg.scatter [tilespmem:s21], [sflag:$0x4], $0x80, v4, vm0, $0xb8;
	[tilespmem:$0x10400] =	vst v63  }
0x15e: {  	s22 =	simm.s32 $0xB400;
	v3 =	vadd.s32 v1, v3  }
0x15f: {  	[hbm4b:s9+s2] =	stream.indirect_vreg.scatter [tilespmem:s22], [sflag:$0x4], $0x80, v4, vm0, $0xb8;
	[tilespmem:$0x10400] =	vst v63  }
0x160: {  	s23 =	simm.s32 $0xBC00  }
0x161: {  	[hbm4b:s10+s2] =	stream.indirect_vreg.scatter [tilespmem:s23], [sflag:$0x4], $0x80, v4, vm0, $0xb8;
	[tilespmem:$0x10400] =	vst v63  }
0x162: {  	s24 =	simm.s32 $0xC400  }
0x163: {  	[hbm4b:s3+s2] =	stream.indirect_vreg.scatter [tilespmem:s24], [sflag:$0x4], $0x80, v3, vm0, $0xb8;
	[tilespmem:$0x10400] =	vst v63  }
0x164: {  	s25 =	simm.s32 $0xCC00  }
0x165: {  	[hbm4b:s4+s2] =	stream.indirect_vreg.scatter [tilespmem:s25], [sflag:$0x4], $0x80, v3, vm0, $0xb8;
	[tilespmem:$0x10400] =	vst v63  }
0x166: {  	s26 =	simm.s32 $0xD400  }
0x167: {  	[hbm4b:s5+s2] =	stream.indirect_vreg.scatter [tilespmem:s26], [sflag:$0x4], $0x80, v3, vm0, $0xb8;
	[tilespmem:$0x10400] =	vst v63  }
0x168: {  	s28 =	simm.s32 $0xDC00  }
0x169: {  	[hbm4b:s6+s2] =	stream.indirect_vreg.scatter [tilespmem:s28], [sflag:$0x4], $0x80, v3, vm0, $0xb8;
	[tilespmem:$0x10400] =	vst v63  }
0x16a: {  	s29 =	simm.s32 $0xE400  }
0x16b: {  	[hbm4b:s7+s2] =	stream.indirect_vreg.scatter [tilespmem:s29], [sflag:$0x4], $0x80, v3, vm0, $0xb8;
	[tilespmem:$0x10400] =	vst v63  }
0x16c: {  	s30 =	simm.s32 $0xEC00  }
0x16d: {  	[hbm4b:s8+s2] =	stream.indirect_vreg.scatter [tilespmem:s30], [sflag:$0x4], $0x80, v3, vm0, $0xb8;
	[tilespmem:$0x10400] =	vst v63  }
0x16e: {  	s30 =	simm.s32 $0xF400  }
0x16f: {  	[hbm4b:s9+s2] =	stream.indirect_vreg.scatter [tilespmem:s30], [sflag:$0x4], $0x80, v3, vm0, $0xb8;
	[tilespmem:$0x10400] =	vst v63  }
0x170: {  	s16 =	simm.s32 $0xFC00  }
0x171: {  	[hbm4b:s10+s2] =	stream.indirect_vreg.scatter [tilespmem:s16], [sflag:$0x4], $0x80, v3, vm0, $0xb8;
	[tilespmem:$0x10400] =	vst v63  }
0x172: {  	p0 =	sne.s32 s11, $0x1;
	_ =	swait.ge [sflag:s1], $0x8000  }
.Ltmp0:
0x173: {  	[sflag:s1] =	ssyncset.done $0x0;
	(pc) =	sbr.rel @p0 .LBB2_1-.Ltmp0, $4  }
0x174: {  	[sflag:s1] =	ssyncadd.s32 $0xFFFF8000  }
0x175: {  	_ =	swait.ge [sflag:s31], $0x8000  }
0x176: {  	[sflag:s31] =	ssyncset.done $0x0  }
0x177: {  	s11 =	sadd.s32 $0xFFFFFFFF, s11;
	[sflag:s31] =	ssyncadd.s32 $0xFFFF8000  }
0x178: {  	_ =	sfence.sel $0x180000  }
0x179: {  	[bflag:$0x0] =	sbarrier.arrive $0xFFFF  }
0x17a: {  	_ =	strace $0x9000004A  }
0x17b: {  	s0 =	stileid.u32;
	[bflag:$0x2] =	sbarrier.arrive $0xFFFF  }
0x17c: {  	p0 =	sne.s32 s0, $0x0;
	s0 =	rddreg [dreg:$0x1]  }
0x17d: {  	s0 =	sadd.s32 @!p0 $0x100000, s0  }
0x17e: {  	[sflag:s0] =	ssyncadd.tile.s32 @!p0 $0x1;
	_ =	shalt  }
.Lfunc_end2:
_tile_overlayer_lowered:
.L_overlay_start_2:
0x17f: {  	(tag) =	ssettag $0x2  }
0x180: {  	s0 =	rddreg [dreg:$0x0];
	s2 =	stileid.u32  }
0x181: {  	s1 =	rddreg [dreg:$0x1];
	p0 =	sne.s32 s2, $0x0  }
0x182: {  	s3 =	rddreg [dreg:$0x2];
	[bflag:$0x3] =	sbarrier.arrive $0xFFFF;
	s2 =	simm.s32 @!p0 $0x1C05  }
0x183: {  	[timem:s3], [sflag:s2] =	dma.local @!p0 [hbm:s0], s1  }
0x184: {  	s0 =	simm.s32 @!p0 $0x5  }
0x185: {  	_ =	swait.ge @!p0 [sflag:s0], s1  }
0x186: {  	s1 =	ssub.s32 @!p0 $0x0, s1;
	[sflag:s0] =	ssyncset.done @!p0 $0x0  }
0x187: {  	[sflag:s0] =	ssyncadd.s32 @!p0 s1  }
0x188: {  	[bflag:$0x3] =	sbarrier.arrive $0xFFFF  }
0x189: {  	_ =	shalt  }

</sc_bundles>
